<compile_context>
chip_gen: v7x
topology: tpu7x:2x2x1
jax: 0.10.2.dev20260603
libtpu: 0.0.44.dev20260713+nightly
codegen_flags: <defaults>
</compile_context>

<pallas_src>
import functools

import jax
import jax.numpy as jnp
from jax import lax
from jax.experimental import pallas as pl
from jax.experimental.pallas import tpu as pltpu
from jax.experimental.pallas import tpu_sc as plsc

N_NODES = 10000
NP = 10240
E_EDGES = 320000
C = 128
EPAD = 327680
NROWS = EPAD // C
NC1 = EPAD // (16 * C)
NC2 = EPAD // (32 * C)
RPT = NP // 16

def _mesh():
    return plsc.VectorSubcoreMesh(core_axis_name="c", subcore_axis_name="s")


def _fill_rows(ref, n_rows, n_cols, val):
    def row(i, _):
        def col(k, _):
            ref[i, pl.ds(k * 16, 16)] = jnp.full((16,), val, jnp.float32)
            return 0
        lax.fori_loop(0, n_cols // 16, col, 0)
        return 0
    lax.fori_loop(0, n_rows, row, 0)


def _zero_acc_rows(zbuf, acc, s, n_rows):
    def body(m, _):
        pltpu.sync_copy(zbuf, acc.at[pl.ds(s * RPT + m * n_rows, n_rows)])
        return 0
    lax.fori_loop(0, RPT // n_rows, body, 0)


def _make_deg_kernel():
    ib = 8
    nblk = NC2 // ib

    @functools.partial(
        pl.kernel,
        out_type=jax.ShapeDtypeStruct((2, NP, 128), jnp.float32),
        mesh=_mesh(),
        scratch_types=[
            pltpu.VMEM_SHARED((NP, 128), jnp.float32),
            pltpu.VMEM((ib, C), jnp.int32),
            pltpu.VMEM((C, 128), jnp.float32),
            pltpu.VMEM((C, 128), jnp.float32),
        ],
    )
    def deg_kernel(dst_hbm, out_hbm, acc, didx, ones_v, zbuf):
        c = lax.axis_index("c")
        s = lax.axis_index("s")
        wid = c * 16 + s
        _fill_rows(ones_v, C, 128, 1.0)
        _fill_rows(zbuf, C, 128, 0.0)
        _zero_acc_rows(zbuf, acc, s, C)
        plsc.subcore_barrier()

        def blk(b, _):
            pltpu.sync_copy(dst_hbm.at[wid, pl.ds(b * ib, ib)], didx)

            def body(j, _):
                pltpu.sync_copy(ones_v, acc.at[didx.at[j]], add=True)
                return 0
            lax.fori_loop(0, ib, body, 0)
            return 0
        lax.fori_loop(0, nblk, blk, 0)
        plsc.subcore_barrier()
        pltpu.sync_copy(acc.at[pl.ds(s * RPT, RPT)],
                        out_hbm.at[c, pl.ds(s * RPT, RPT)])

    return deg_kernel


def _make_msg_kernel(feature_split):
    n_chunks = NC1 if feature_split else NC2
    ib = 16
    nblk = n_chunks // ib

    @functools.partial(
        pl.kernel,
        out_type=jax.ShapeDtypeStruct((2, NP, 128), jnp.float32),
        mesh=_mesh(),
        scratch_types=[
            pltpu.VMEM_SHARED((NP, 128), jnp.float32),
            pltpu.VMEM((2, ib, C), jnp.int32),
            pltpu.VMEM((2, ib, C), jnp.int32),
            pltpu.VMEM((2, C, 128), jnp.float32),
            pltpu.SemaphoreType.DMA((2,)),
        ],
    )
    def msg_kernel(table_hbm, src_hbm, dst_hbm, out_hbm,
                   acc, sidx, didx, msg, gsem):
        c = lax.axis_index("c")
        s = lax.axis_index("s")
        _fill_rows(msg.at[0], C, 128, 0.0)
        _zero_acc_rows(msg.at[0], acc, s, C)
        plsc.subcore_barrier()

        def load_idx(b):
            p = lax.rem(b, 2)
            if feature_split:
                pltpu.sync_copy(src_hbm.at[c, s, pl.ds(b * ib, ib)], sidx.at[p])
                pltpu.sync_copy(dst_hbm.at[s, pl.ds(b * ib, ib)], didx.at[p])
            else:
                wid = c * 16 + s
                pltpu.sync_copy(src_hbm.at[wid, pl.ds(b * ib, ib)], sidx.at[p])
                pltpu.sync_copy(dst_hbm.at[wid, pl.ds(b * ib, ib)], didx.at[p])

        def start_gathers(j, buf):
            b = j // ib
            r = lax.rem(j, ib)
            pltpu.async_copy(
                table_hbm.at[sidx.at[lax.rem(b, 2), r]],
                msg.at[buf], gsem.at[buf])

        load_idx(0)
        start_gathers(0, 0)
        start_gathers(1, 1)

        def body(j, _):
            buf = lax.rem(j, 2)
            pltpu.make_async_copy(
                table_hbm.at[sidx.at[0, 0]], msg.at[buf], gsem.at[buf]).wait()
            b = j // ib
            pltpu.sync_copy(
                msg.at[buf],
                acc.at[didx.at[lax.rem(b, 2), lax.rem(j, ib)]], add=True)

            nxt = j + 2

            @pl.when(nxt < n_chunks)
            def _():
                @pl.when(lax.rem(nxt, ib) == 0)
                def _():
                    load_idx(nxt // ib)
                start_gathers(nxt, buf)
            return 0
        lax.fori_loop(0, n_chunks, body, 0)
        plsc.subcore_barrier()
        pltpu.sync_copy(acc.at[pl.ds(s * RPT, RPT)],
                        out_hbm.at[c, pl.ds(s * RPT, RPT)])

    return msg_kernel


def _dis_from_deg(deg_ref):
    d = deg_ref[0, :, 0:1] + deg_ref[1, :, 0:1] + 1.0
    return lax.rsqrt(d)


def _mm1_body(x_ref, w_ref, out_ref):
    out_ref[...] = jnp.dot(x_ref[...], w_ref[...],
                           preferred_element_type=jnp.float32)


def _scale1_body(h_ref, deg_ref, out_ref):
    dis = _dis_from_deg(deg_ref)
    h = dis * h_ref[...]
    out_ref[0] = h[:, :128]
    out_ref[1] = h[:, 128:]


def _mid_body(s1_ref, hs1_ref, deg_ref, b1_ref, w2_ref, out_ref):
    dis = _dis_from_deg(deg_ref)
    hcat = jnp.concatenate([dis * (s1_ref[0] + hs1_ref[0]),
                            dis * (s1_ref[1] + hs1_ref[1])], axis=1)
    hact = jnp.maximum(hcat + b1_ref[0][None, :], 0.0)
    h2 = jnp.dot(hact, w2_ref[...], preferred_element_type=jnp.float32)
    out_ref[...] = dis * h2


def _final_body(s2_ref, hs2_ref, deg_ref, b2_ref, out_ref):
    dis = _dis_from_deg(deg_ref)
    out_ref[...] = (dis * (s2_ref[0] + s2_ref[1] + hs2_ref[...])
                    + b2_ref[0][None, :])


BM = 512


def _tc_mm1(xp, W1):
    return pl.pallas_call(
        _mm1_body,
        grid=(NP // BM,),
        in_specs=[
            pl.BlockSpec((BM, 128), lambda j: (j, 0)),
            pl.BlockSpec((128, 256), lambda j: (0, 0)),
        ],
        out_specs=pl.BlockSpec((BM, 256), lambda j: (j, 0)),
        out_shape=jax.ShapeDtypeStruct((NP, 256), jnp.float32),
    )(xp, W1)


def _tc_scale1(h1, deg2):
    return pl.pallas_call(
        _scale1_body,
        grid=(NP // BM,),
        in_specs=[
            pl.BlockSpec((BM, 256), lambda j: (j, 0)),
            pl.BlockSpec((2, BM, 128), lambda j: (0, j, 0)),
        ],
        out_specs=pl.BlockSpec((2, BM, 128), lambda j: (0, j, 0)),
        out_shape=jax.ShapeDtypeStruct((2, NP, 128), jnp.float32),
    )(h1, deg2)


def _tc_mid(s1, hs1, deg2, b1, W2):
    return pl.pallas_call(
        _mid_body,
        grid=(NP // BM,),
        in_specs=[
            pl.BlockSpec((2, BM, 128), lambda j: (0, j, 0)),
            pl.BlockSpec((2, BM, 128), lambda j: (0, j, 0)),
            pl.BlockSpec((2, BM, 128), lambda j: (0, j, 0)),
            pl.BlockSpec((1, 256), lambda j: (0, 0)),
            pl.BlockSpec((256, 128), lambda j: (0, 0)),
        ],
        out_specs=pl.BlockSpec((BM, 128), lambda j: (j, 0)),
        out_shape=jax.ShapeDtypeStruct((NP, 128), jnp.float32),
    )(s1, hs1, deg2, b1.reshape(1, 256), W2)


def _tc_final(s2, hs2, deg2, b2):
    bm = 400
    return pl.pallas_call(
        _final_body,
        grid=(N_NODES // bm,),
        in_specs=[
            pl.BlockSpec((2, bm, 128), lambda j: (0, j, 0)),
            pl.BlockSpec((bm, 128), lambda j: (j, 0)),
            pl.BlockSpec((2, bm, 128), lambda j: (0, j, 0)),
            pl.BlockSpec((1, 128), lambda j: (0, 0)),
        ],
        out_specs=pl.BlockSpec((bm, 128), lambda j: (j, 0)),
        out_shape=jax.ShapeDtypeStruct((N_NODES, 128), jnp.float32),
    )(s2, hs2, deg2, b2.reshape(1, 128))


_deg_call = _make_deg_kernel()
_msg1_call = _make_msg_kernel(feature_split=True)
_msg2_call = _make_msg_kernel(feature_split=False)


@jax.jit
def kernel(x, edge_index, W1, b1, W2, b2):
    npad = EPAD - E_EDGES
    pad_src = jnp.arange(npad, dtype=jnp.int32) % N_NODES
    pad_dst = N_NODES + jnp.arange(npad, dtype=jnp.int32) % (NP - N_NODES)
    src = jnp.concatenate([edge_index[0], pad_src])
    dst = jnp.concatenate([edge_index[1], pad_dst])
    src16 = src.reshape(16, NC1, C)
    dst16 = dst.reshape(16, NC1, C)
    src32 = src.reshape(32, NC2, C)
    dst32 = dst.reshape(32, NC2, C)
    src1 = jnp.stack([src16, src16 + NP])

    xp = jnp.zeros((NP, 128), jnp.float32).at[:N_NODES].set(x)

    h1 = _tc_mm1(xp, W1)
    deg2 = _deg_call(dst32)
    hs1 = _tc_scale1(h1, deg2)
    s1 = _msg1_call(hs1.reshape(2 * NP, 128), src1, dst16)
    hs2 = _tc_mid(s1, hs1, deg2, b1, W2)
    s2 = _msg2_call(hs2, src32, dst32)
    return _tc_final(s2, hs2, deg2, b2)

# --- scband reference (transcript-rebuilt; emitter-appended) ---
"""Pipeline reference for scband-gcn-79645873537466 (READ-ONLY COPY).

The authoritative reference and input builder live on the scoring server;
editing this copy changes nothing except your own understanding.
"""

import jax, jax.numpy as jnp
import numpy as np

N = 10000
E = 320000
D_IN = 128
HID = 256
D_OUT = 128


def setup_inputs(seed: int = 0) -> dict:
    key = jax.random.key(seed)
    k1, k2, k3, k4, k5, k6 = jax.random.split(key, 6)
    x = jax.random.normal(k1, (N, D_IN), dtype=jnp.float32)
    edge_index = jax.random.randint(k2, (2, E), 0, N, dtype=jnp.int32)
    W1 = jax.random.normal(k3, (D_IN, HID), dtype=jnp.float32) * (1.0 / np.sqrt(D_IN))
    b1 = jnp.zeros((HID,), dtype=jnp.float32)
    W2 = jax.random.normal(k4, (HID, D_OUT), dtype=jnp.float32) * (1.0 / np.sqrt(HID))
    b2 = jnp.zeros((D_OUT,), dtype=jnp.float32)
    return {"x": x, "edge_index": edge_index, "W1": W1, "b1": b1, "W2": W2, "b2": b2}


def gcn_conv(x, src, dst, W, b, num_nodes):
    # add self-loops
    loop = jnp.arange(num_nodes, dtype=src.dtype)
    src_sl = jnp.concatenate([src, loop])
    dst_sl = jnp.concatenate([dst, loop])
    # symmetric normalization D^{-1/2} A_hat D^{-1/2}
    deg = jnp.zeros((num_nodes,), dtype=jnp.float32).at[dst_sl].add(1.0)
    deg_inv_sqrt = jnp.where(deg > 0, 1.0 / jnp.sqrt(deg), 0.0)
    norm = deg_inv_sqrt[src_sl] * deg_inv_sqrt[dst_sl]
    # linear transform then message passing (gather -> weight -> scatter-add)
    h = x @ W
    msg = jnp.take(h, src_sl, axis=0) * norm[:, None]
    out = jnp.zeros((num_nodes, W.shape[1]), dtype=jnp.float32).at[dst_sl].add(msg)
    return out + b


def reference(x, edge_index, W1, b1, W2, b2):
    num_nodes = x.shape[0]
    src = edge_index[0]
    dst = edge_index[1]
    h = gcn_conv(x, src, dst, W1, b1, num_nodes)
    h = jax.nn.relu(h)
    out = gcn_conv(h, src, dst, W2, b2, num_nodes)
    return out

if __name__ == "__main__":
    import jax
    _d = setup_inputs()
    print(jax.jit(kernel)(*tuple(_d.values())))

</pallas_src>

<mosaic_0001>
#map = affine_map<(d0, d1) -> (0, 0, 0)>
module attributes {stable_mosaic.version = 14 : i64} {
  func.func @deg_kernel(%arg0: i32, %arg1: i32, %arg2: memref<32x80x128xi32, #tpu.memory_space<hbm>>, %arg3: memref<2x10240x128xf32, #tpu.memory_space<hbm>>, %arg4: memref<10240x128xf32, #tpu.memory_space<vmem_shared>>, %arg5: memref<8x128xi32, #tpu.memory_space<vmem>>, %arg6: memref<128x128xf32, #tpu.memory_space<vmem>>, %arg7: memref<128x128xf32, #tpu.memory_space<vmem>>) attributes {dimension_semantics = [#tpu.dimension_semantics<core_parallel>, #tpu.dimension_semantics<subcore_parallel>], iteration_bounds = array<i64: 2, 16>, scalar_prefetch = 0 : i64, scratch_operands = 4 : i64, tpu.core_type = #tpu.core_type<sc_vector_subcore>, window_params = [{transform_indices = #map}, {transform_indices = #map}]} {
    %mul3A = arith.constant 16 : i32
    %mul3A_0 = arith.muli %arg0, %mul3A : i32
    %add3A = arith.addi %mul3A_0, %arg1 : i32
    %scan3A = arith.constant 0 : i32
    %scan3A_1 = arith.constant 0 : i32
    %scan3A_2 = arith.constant 128 : i32
    %scan3A_3 = arith.addi %scan3A_1, %scan3A_2 : i32
    %scan3A_4 = arith.constant 1 : i32
    %scan3A_5 = scf.for %scan3A_33 = %scan3A_1 to %scan3A_3 step %scan3A_4 iter_args(%scan3A_34 = %scan3A) -> (i32)  : i32 {
      %scan3A_35 = arith.constant 0 : i32
      %scan3A_36 = arith.constant 0 : i32
      %scan3A_37 = arith.constant 8 : i32
      %scan3A_38 = arith.addi %scan3A_36, %scan3A_37 : i32
      %scan3A_39 = arith.constant 1 : i32
      %scan3A_40 = scf.for %scan3A_43 = %scan3A_36 to %scan3A_38 step %scan3A_39 iter_args(%scan3A_44 = %scan3A_35) -> (i32)  : i32 {
        %broadcast_in_dim3A = arith.constant 1.000000e+00 : f32
        %broadcast_in_dim3A_45 = vector.broadcast %broadcast_in_dim3A : f32 to vector<16xf32>
        %mul3A_46 = arith.constant 16 : i32
        %mul3A_47 = arith.muli %scan3A_43, %mul3A_46 : i32
        %swap3A = arith.index_cast %scan3A_33 : i32 to index
        %swap3A_48 = arith.index_cast %mul3A_47 : i32 to index
        %swap3A_49 = tpu.vector_load %arg6[%swap3A, %swap3A_48] {strides = array<i32>} : memref<128x128xf32, #tpu.memory_space<vmem>>, vector<1x16xf32>,
        %swap3A_50 = vector.shape_cast %swap3A_49 : vector<1x16xf32> to vector<16xf32>
        %swap3A_51 = vector.shape_cast %broadcast_in_dim3A_45 : vector<16xf32> to vector<1x16xf32>
        tpu.vector_store %arg6[%swap3A, %swap3A_48], %swap3A_51 {strides = array<i32>} : memref<128x128xf32, #tpu.memory_space<vmem>>, vector<1x16xf32>,
        %scan3A_52 = arith.constant 0 : i32
        scf.yield %scan3A_52 : i32
      }
      %scan3A_41 = arith.constant 8 : i32
      %scan3A_42 = arith.constant 0 : i32
      scf.yield %scan3A_42 : i32
    }
    %scan3A_6 = arith.constant 128 : i32
    %scan3A_7 = arith.constant 0 : i32
    %scan3A_8 = arith.constant 0 : i32
    %scan3A_9 = arith.constant 128 : i32
    %scan3A_10 = arith.addi %scan3A_8, %scan3A_9 : i32
    %scan3A_11 = arith.constant 1 : i32
    %scan3A_12 = scf.for %scan3A_33 = %scan3A_8 to %scan3A_10 step %scan3A_11 iter_args(%scan3A_34 = %scan3A_7) -> (i32)  : i32 {
      %scan3A_35 = arith.constant 0 : i32
      %scan3A_36 = arith.constant 0 : i32
      %scan3A_37 = arith.constant 8 : i32
      %scan3A_38 = arith.addi %scan3A_36, %scan3A_37 : i32
      %scan3A_39 = arith.constant 1 : i32
      %scan3A_40 = scf.for %scan3A_43 = %scan3A_36 to %scan3A_38 step %scan3A_39 iter_args(%scan3A_44 = %scan3A_35) -> (i32)  : i32 {
        %broadcast_in_dim3A = arith.constant 0.000000e+00 : f32
        %broadcast_in_dim3A_45 = vector.broadcast %broadcast_in_dim3A : f32 to vector<16xf32>
        %mul3A_46 = arith.constant 16 : i32
        %mul3A_47 = arith.muli %scan3A_43, %mul3A_46 : i32
        %swap3A = arith.index_cast %scan3A_33 : i32 to index
        %swap3A_48 = arith.index_cast %mul3A_47 : i32 to index
        %swap3A_49 = tpu.vector_load %arg7[%swap3A, %swap3A_48] {strides = array<i32>} : memref<128x128xf32, #tpu.memory_space<vmem>>, vector<1x16xf32>,
        %swap3A_50 = vector.shape_cast %swap3A_49 : vector<1x16xf32> to vector<16xf32>
        %swap3A_51 = vector.shape_cast %broadcast_in_dim3A_45 : vector<16xf32> to vector<1x16xf32>
        tpu.vector_store %arg7[%swap3A, %swap3A_48], %swap3A_51 {strides = array<i32>} : memref<128x128xf32, #tpu.memory_space<vmem>>, vector<1x16xf32>,
        %scan3A_52 = arith.constant 0 : i32
        scf.yield %scan3A_52 : i32
      }
      %scan3A_41 = arith.constant 8 : i32
      %scan3A_42 = arith.constant 0 : i32
      scf.yield %scan3A_42 : i32
    }
    %scan3A_13 = arith.constant 128 : i32
    %scan3A_14 = arith.constant 0 : i32
    %scan3A_15 = arith.constant 0 : i32
    %scan3A_16 = arith.constant 5 : i32
    %scan3A_17 = arith.addi %scan3A_15, %scan3A_16 : i32
    %scan3A_18 = arith.constant 1 : i32
    %scan3A_19 = scf.for %scan3A_33 = %scan3A_15 to %scan3A_17 step %scan3A_18 iter_args(%scan3A_34 = %scan3A_14) -> (i32)  : i32 {
      %mul3A_35 = arith.constant 640 : i32
      %mul3A_36 = arith.muli %arg1, %mul3A_35 : i32
      %mul3A_37 = arith.constant 128 : i32
      %mul3A_38 = arith.muli %scan3A_33, %mul3A_37 : i32
      %add3A_39 = arith.addi %mul3A_36, %mul3A_38 : i32
      "tpu.region"() ({
        %run_scoped3A = tpu.sem_alloc : memref<!tpu.dma_semaphore, #tpu.memory_space<semaphore_mem>>
        %dma_start3A = arith.constant 0 : i32
        %dma_start3A_41 = tpu.memref_slice %arg4[%add3A_39, %dma_start3A] : memref<10240x128xf32, #tpu.memory_space<vmem_shared>> -> memref<128x128xf32, #tpu.memory_space<vmem_shared>>
        %dma_start3A_42 = arith.constant 0 : i32
        %dma_start3A_43 = tpu.memref_slice %arg4[%add3A_39, %dma_start3A_42] : memref<10240x128xf32, #tpu.memory_space<vmem_shared>> -> memref<128x128xf32, #tpu.memory_space<vmem_shared>>
        tpu.enqueue_dma source(%arg7 : memref<128x128xf32, #tpu.memory_space<vmem>>) target(%dma_start3A_43 : memref<128x128xf32, #tpu.memory_space<vmem_shared>>) target_semaphore(%run_scoped3A : memref<!tpu.dma_semaphore, #tpu.memory_space<semaphore_mem>>)
        %dma_wait3A = arith.constant 0 : i32
        %dma_wait3A_44 = tpu.memref_slice %arg4[%add3A_39, %dma_wait3A] : memref<10240x128xf32, #tpu.memory_space<vmem_shared>> -> memref<128x128xf32, #tpu.memory_space<vmem_shared>>
        %dma_wait3A_45 = arith.constant 0 : i32
        %dma_wait3A_46 = tpu.memref_slice %arg4[%add3A_39, %dma_wait3A_45] : memref<10240x128xf32, #tpu.memory_space<vmem_shared>> -> memref<128x128xf32, #tpu.memory_space<vmem_shared>>
        tpu.wait_dma2 semaphore(%run_scoped3A : memref<!tpu.dma_semaphore, #tpu.memory_space<semaphore_mem>>) src(%arg7 : memref<128x128xf32, #tpu.memory_space<vmem>>) dst(%dma_wait3A_46 : memref<128x128xf32, #tpu.memory_space<vmem_shared>>)
        tpu.yield
      }) : () -> ()
      %scan3A_40 = arith.constant 0 : i32
      scf.yield %scan3A_40 : i32
    }
    %scan3A_20 = arith.constant 5 : i32
    %barrier3A = arith.constant 0 : index
    tpu.barrier barrier_id(%barrier3A)
    %scan3A_21 = arith.constant 0 : i32
    %scan3A_22 = arith.constant 0 : i32
    %scan3A_23 = arith.constant 10 : i32
    %scan3A_24 = arith.addi %scan3A_22, %scan3A_23 : i32
    %scan3A_25 = arith.constant 1 : i32
    %scan3A_26 = scf.for %scan3A_33 = %scan3A_22 to %scan3A_24 step %scan3A_25 iter_args(%scan3A_34 = %scan3A_21) -> (i32)  : i32 {
      %mul3A_35 = arith.constant 8 : i32
      %mul3A_36 = arith.muli %scan3A_33, %mul3A_35 : i32
      "tpu.region"() ({
        %run_scoped3A = tpu.sem_alloc : memref<!tpu.dma_semaphore, #tpu.memory_space<semaphore_mem>>
        %dma_start3A = arith.constant 0 : i32
        %dma_start3A_45 = tpu.memref_slice %arg2[%add3A, %mul3A_36, %dma_start3A] : memref<32x80x128xi32, #tpu.memory_space<hbm>> -> memref<1x8x128xi32, #tpu.memory_space<hbm>>
        %dma_start3A_46 = tpu.memref_squeeze %dma_start3A_45 : memref<1x8x128xi32, #tpu.memory_space<hbm>> -> memref<8x128xi32, #tpu.memory_space<hbm>>
        %dma_start3A_47 = arith.constant 0 : i32
        %dma_start3A_48 = tpu.memref_slice %arg2[%add3A, %mul3A_36, %dma_start3A_47] : memref<32x80x128xi32, #tpu.memory_space<hbm>> -> memref<1x8x128xi32, #tpu.memory_space<hbm>>
        %dma_start3A_49 = tpu.memref_squeeze %dma_start3A_48 : memref<1x8x128xi32, #tpu.memory_space<hbm>> -> memref<8x128xi32, #tpu.memory_space<hbm>>
        tpu.enqueue_dma source(%dma_start3A_49 : memref<8x128xi32, #tpu.memory_space<hbm>>) target(%arg5 : memref<8x128xi32, #tpu.memory_space<vmem>>) target_semaphore(%run_scoped3A : memref<!tpu.dma_semaphore, #tpu.memory_space<semaphore_mem>>)
        %dma_wait3A = arith.constant 0 : i32
        %dma_wait3A_50 = tpu.memref_slice %arg2[%add3A, %mul3A_36, %dma_wait3A] : memref<32x80x128xi32, #tpu.memory_space<hbm>> -> memref<1x8x128xi32, #tpu.memory_space<hbm>>
        %dma_wait3A_51 = tpu.memref_squeeze %dma_wait3A_50 : memref<1x8x128xi32, #tpu.memory_space<hbm>> -> memref<8x128xi32, #tpu.memory_space<hbm>>
        %dma_wait3A_52 = arith.constant 0 : i32
        %dma_wait3A_53 = tpu.memref_slice %arg2[%add3A, %mul3A_36, %dma_wait3A_52] : memref<32x80x128xi32, #tpu.memory_space<hbm>> -> memref<1x8x128xi32, #tpu.memory_space<hbm>>
        %dma_wait3A_54 = tpu.memref_squeeze %dma_wait3A_53 : memref<1x8x128xi32, #tpu.memory_space<hbm>> -> memref<8x128xi32, #tpu.memory_space<hbm>>
        tpu.wait_dma2 semaphore(%run_scoped3A : memref<!tpu.dma_semaphore, #tpu.memory_space<semaphore_mem>>) src(%dma_wait3A_54 : memref<8x128xi32, #tpu.memory_space<hbm>>) dst(%arg5 : memref<8x128xi32, #tpu.memory_space<vmem>>)
        tpu.yield
      }) : () -> ()
      %scan3A_37 = arith.constant 0 : i32
      %scan3A_38 = arith.constant 0 : i32
      %scan3A_39 = arith.constant 8 : i32
      %scan3A_40 = arith.addi %scan3A_38, %scan3A_39 : i32
      %scan3A_41 = arith.constant 1 : i32
      %scan3A_42 = scf.for %scan3A_45 = %scan3A_38 to %scan3A_40 step %scan3A_41 iter_args(%scan3A_46 = %scan3A_37) -> (i32)  : i32 {
        "tpu.region"() ({
          %run_scoped3A = tpu.sem_alloc : memref<!tpu.dma_semaphore, #tpu.memory_space<semaphore_mem>>
          %dma_start3A = arith.constant 0 : i32
          %dma_start3A_48 = tpu.memref_slice %arg5[%scan3A_45, %dma_start3A] : memref<8x128xi32, #tpu.memory_space<vmem>> -> memref<1x128xi32, #tpu.memory_space<vmem>>
          %dma_start3A_49 = tpu.memref_squeeze %dma_start3A_48 : memref<1x128xi32, #tpu.memory_space<vmem>> -> memref<128xi32, #tpu.memory_space<vmem>>
          %dma_start3A_50 = arith.constant 0 : i32
          %dma_start3A_51 = arith.constant 0 : i32
          %dma_start3A_52 = tpu.memref_slice %arg4[%dma_start3A_50, %dma_start3A_51] : memref<10240x128xf32, #tpu.memory_space<vmem_shared>> -> memref<10240x128xf32, #tpu.memory_space<vmem_shared>>
          tpu.enqueue_indirect_dma source(%arg6 : memref<128x128xf32, #tpu.memory_space<vmem>>) target(%dma_start3A_52 : memref<10240x128xf32, #tpu.memory_space<vmem_shared>>) offsets(%dma_start3A_49 : memref<128xi32, #tpu.memory_space<vmem>>) semaphore(%run_scoped3A : memref<!tpu.dma_semaphore, #tpu.memory_space<semaphore_mem>>) {add = true}
          %dma_wait3A = arith.constant 0 : i32
          %dma_wait3A_53 = tpu.memref_slice %arg5[%scan3A_45, %dma_wait3A] : memref<8x128xi32, #tpu.memory_space<vmem>> -> memref<1x128xi32, #tpu.memory_space<vmem>>
          %dma_wait3A_54 = tpu.memref_squeeze %dma_wait3A_53 : memref<1x128xi32, #tpu.memory_space<vmem>> -> memref<128xi32, #tpu.memory_space<vmem>>
          %dma_wait3A_55 = arith.constant 0 : i32
          %dma_wait3A_56 = arith.constant 0 : i32
          %dma_wait3A_57 = tpu.memref_slice %arg4[%dma_wait3A_55, %dma_wait3A_56] : memref<10240x128xf32, #tpu.memory_space<vmem_shared>> -> memref<10240x128xf32, #tpu.memory_space<vmem_shared>>
          tpu.wait_indirect_dma semaphore(%run_scoped3A : memref<!tpu.dma_semaphore, #tpu.memory_space<semaphore_mem>>) src(%arg6 : memref<128x128xf32, #tpu.memory_space<vmem>>) dst(%dma_wait3A_57 : memref<10240x128xf32, #tpu.memory_space<vmem_shared>>)
          tpu.yield
        }) : () -> ()
        %scan3A_47 = arith.constant 0 : i32
        scf.yield %scan3A_47 : i32
      }
      %scan3A_43 = arith.constant 8 : i32
      %scan3A_44 = arith.constant 0 : i32
      scf.yield %scan3A_44 : i32
    }
    %scan3A_27 = arith.constant 10 : i32
    %barrier3A_28 = arith.constant 0 : index
    tpu.barrier barrier_id(%barrier3A_28)
    %mul3A_29 = arith.constant 640 : i32
    %mul3A_30 = arith.muli %arg1, %mul3A_29 : i32
    %mul3A_31 = arith.constant 640 : i32
    %mul3A_32 = arith.muli %arg1, %mul3A_31 : i32
    "tpu.region"() ({
      %run_scoped3A = tpu.sem_alloc : memref<!tpu.dma_semaphore, #tpu.memory_space<semaphore_mem>>
      %dma_start3A = arith.constant 0 : i32
      %dma_start3A_33 = tpu.memref_slice %arg3[%arg0, %mul3A_32, %dma_start3A] : memref<2x10240x128xf32, #tpu.memory_space<hbm>> -> memref<1x640x128xf32, #tpu.memory_space<hbm>>
      %dma_start3A_34 = tpu.memref_squeeze %dma_start3A_33 : memref<1x640x128xf32, #tpu.memory_space<hbm>> -> memref<640x128xf32, #tpu.memory_space<hbm>>
      %dma_start3A_35 = arith.constant 0 : i32
      %dma_start3A_36 = tpu.memref_slice %arg4[%mul3A_30, %dma_start3A_35] : memref<10240x128xf32, #tpu.memory_space<vmem_shared>> -> memref<640x128xf32, #tpu.memory_space<vmem_shared>>
      tpu.enqueue_dma source(%dma_start3A_36 : memref<640x128xf32, #tpu.memory_space<vmem_shared>>) target(%dma_start3A_34 : memref<640x128xf32, #tpu.memory_space<hbm>>) target_semaphore(%run_scoped3A : memref<!tpu.dma_semaphore, #tpu.memory_space<semaphore_mem>>)
      %dma_wait3A = arith.constant 0 : i32
      %dma_wait3A_37 = tpu.memref_slice %arg3[%arg0, %mul3A_32, %dma_wait3A] : memref<2x10240x128xf32, #tpu.memory_space<hbm>> -> memref<1x640x128xf32, #tpu.memory_space<hbm>>
      %dma_wait3A_38 = tpu.memref_squeeze %dma_wait3A_37 : memref<1x640x128xf32, #tpu.memory_space<hbm>> -> memref<640x128xf32, #tpu.memory_space<hbm>>
      %dma_wait3A_39 = arith.constant 0 : i32
      %dma_wait3A_40 = tpu.memref_slice %arg4[%mul3A_30, %dma_wait3A_39] : memref<10240x128xf32, #tpu.memory_space<vmem_shared>> -> memref<640x128xf32, #tpu.memory_space<vmem_shared>>
      tpu.wait_dma2 semaphore(%run_scoped3A : memref<!tpu.dma_semaphore, #tpu.memory_space<semaphore_mem>>) src(%dma_wait3A_40 : memref<640x128xf32, #tpu.memory_space<vmem_shared>>) dst(%dma_wait3A_38 : memref<640x128xf32, #tpu.memory_space<hbm>>)
      tpu.yield
    }) : () -> ()
    return
  }
}

#map = affine_map<(d0, d1) -> (0, 0)>
#map1 = affine_map<(d0, d1) -> (0, 0, 0)>
module attributes {stable_mosaic.version = 14 : i64} {
  func.func @msg_kernel(%arg0: i32, %arg1: i32, %arg2: memref<10240x128xf32, #tpu.memory_space<hbm>>, %arg3: memref<32x80x128xi32, #tpu.memory_space<hbm>>, %arg4: memref<32x80x128xi32, #tpu.memory_space<hbm>>, %arg5: memref<2x10240x128xf32, #tpu.memory_space<hbm>>, %arg6: memref<10240x128xf32, #tpu.memory_space<vmem_shared>>, %arg7: memref<2x16x128xi32, #tpu.memory_space<vmem>>, %arg8: memref<2x16x128xi32, #tpu.memory_space<vmem>>, %arg9: memref<2x128x128xf32, #tpu.memory_space<vmem>>, %arg10: memref<2x!tpu.dma_semaphore, #tpu.memory_space<semaphore_mem>>) attributes {dimension_semantics = [#tpu.dimension_semantics<core_parallel>, #tpu.dimension_semantics<subcore_parallel>], iteration_bounds = array<i64: 2, 16>, scalar_prefetch = 0 : i64, scratch_operands = 5 : i64, tpu.core_type = #tpu.core_type<sc_vector_subcore>, window_params = [{transform_indices = #map}, {transform_indices = #map1}, {transform_indices = #map1}, {transform_indices = #map1}]} {
    %scan3A = arith.constant 0 : i32
    %scan3A_0 = arith.constant 0 : i32
    %scan3A_1 = arith.constant 0 : i32
    %scan3A_2 = arith.constant 128 : i32
    %scan3A_3 = arith.addi %scan3A_1, %scan3A_2 : i32
    %scan3A_4 = arith.constant 1 : i32
    %scan3A_5 = scf.for %scan3A_69 = %scan3A_1 to %scan3A_3 step %scan3A_4 iter_args(%scan3A_70 = %scan3A_0) -> (i32)  : i32 {
      %scan3A_71 = arith.constant 0 : i32
      %scan3A_72 = arith.constant 0 : i32
      %scan3A_73 = arith.constant 8 : i32
      %scan3A_74 = arith.addi %scan3A_72, %scan3A_73 : i32
      %scan3A_75 = arith.constant 1 : i32
      %scan3A_76 = scf.for %scan3A_79 = %scan3A_72 to %scan3A_74 step %scan3A_75 iter_args(%scan3A_80 = %scan3A_71) -> (i32)  : i32 {
        %broadcast_in_dim3A = arith.constant 0.000000e+00 : f32
        %broadcast_in_dim3A_81 = vector.broadcast %broadcast_in_dim3A : f32 to vector<16xf32>
        %mul3A_82 = arith.constant 16 : i32
        %mul3A_83 = arith.muli %scan3A_79, %mul3A_82 : i32
        %swap3A = arith.constant 0 : i32
        %swap3A_84 = arith.constant 0 : i32
        %swap3A_85 = tpu.memref_slice %arg9[%scan3A, %swap3A, %swap3A_84] : memref<2x128x128xf32, #tpu.memory_space<vmem>> -> memref<1x128x128xf32, #tpu.memory_space<vmem>>
        %swap3A_86 = tpu.memref_squeeze %swap3A_85 : memref<1x128x128xf32, #tpu.memory_space<vmem>> -> memref<128x128xf32, #tpu.memory_space<vmem>>
        %swap3A_87 = arith.index_cast %scan3A_69 : i32 to index
        %swap3A_88 = arith.index_cast %mul3A_83 : i32 to index
        %swap3A_89 = tpu.vector_load %swap3A_86[%swap3A_87, %swap3A_88] {strides = array<i32>} : memref<128x128xf32, #tpu.memory_space<vmem>>, vector<1x16xf32>,
        %swap3A_90 = vector.shape_cast %swap3A_89 : vector<1x16xf32> to vector<16xf32>
        %swap3A_91 = vector.shape_cast %broadcast_in_dim3A_81 : vector<16xf32> to vector<1x16xf32>
        tpu.vector_store %swap3A_86[%swap3A_87, %swap3A_88], %swap3A_91 {strides = array<i32>} : memref<128x128xf32, #tpu.memory_space<vmem>>, vector<1x16xf32>,
        %scan3A_92 = arith.constant 0 : i32
        scf.yield %scan3A_92 : i32
      }
      %scan3A_77 = arith.constant 8 : i32
      %scan3A_78 = arith.constant 0 : i32
      scf.yield %scan3A_78 : i32
    }
    %scan3A_6 = arith.constant 128 : i32
    %scan3A_7 = arith.constant 0 : i32
    %scan3A_8 = arith.constant 0 : i32
    %scan3A_9 = arith.constant 0 : i32
    %scan3A_10 = arith.constant 5 : i32
    %scan3A_11 = arith.addi %scan3A_9, %scan3A_10 : i32
    %scan3A_12 = arith.constant 1 : i32
    %scan3A_13 = scf.for %scan3A_69 = %scan3A_9 to %scan3A_11 step %scan3A_12 iter_args(%scan3A_70 = %scan3A_8) -> (i32)  : i32 {
      %mul3A_71 = arith.constant 640 : i32
      %mul3A_72 = arith.muli %arg1, %mul3A_71 : i32
      %mul3A_73 = arith.constant 128 : i32
      %mul3A_74 = arith.muli %scan3A_69, %mul3A_73 : i32
      %add3A_75 = arith.addi %mul3A_72, %mul3A_74 : i32
      "tpu.region"() ({
        %run_scoped3A = tpu.sem_alloc : memref<!tpu.dma_semaphore, #tpu.memory_space<semaphore_mem>>
        %dma_start3A_77 = arith.constant 0 : i32
        %dma_start3A_78 = arith.constant 0 : i32
        %dma_start3A_79 = tpu.memref_slice %arg9[%scan3A_7, %dma_start3A_77, %dma_start3A_78] : memref<2x128x128xf32, #tpu.memory_space<vmem>> -> memref<1x128x128xf32, #tpu.memory_space<vmem>>
        %dma_start3A_80 = tpu.memref_squeeze %dma_start3A_79 : memref<1x128x128xf32, #tpu.memory_space<vmem>> -> memref<128x128xf32, #tpu.memory_space<vmem>>
        %dma_start3A_81 = arith.constant 0 : i32
        %dma_start3A_82 = tpu.memref_slice %arg6[%add3A_75, %dma_start3A_81] : memref<10240x128xf32, #tpu.memory_space<vmem_shared>> -> memref<128x128xf32, #tpu.memory_space<vmem_shared>>
        %dma_start3A_83 = arith.constant 0 : i32
        %dma_start3A_84 = tpu.memref_slice %arg6[%add3A_75, %dma_start3A_83] : memref<10240x128xf32, #tpu.memory_space<vmem_shared>> -> memref<128x128xf32, #tpu.memory_space<vmem_shared>>
        %dma_start3A_85 = arith.constant 0 : i32
        %dma_start3A_86 = arith.constant 0 : i32
        %dma_start3A_87 = tpu.memref_slice %arg9[%scan3A_7, %dma_start3A_85, %dma_start3A_86] : memref<2x128x128xf32, #tpu.memory_space<vmem>> -> memref<1x128x128xf32, #tpu.memory_space<vmem>>
        %dma_start3A_88 = tpu.memref_squeeze %dma_start3A_87 : memref<1x128x128xf32, #tpu.memory_space<vmem>> -> memref<128x128xf32, #tpu.memory_space<vmem>>
        tpu.enqueue_dma source(%dma_start3A_88 : memref<128x128xf32, #tpu.memory_space<vmem>>) target(%dma_start3A_84 : memref<128x128xf32, #tpu.memory_space<vmem_shared>>) target_semaphore(%run_scoped3A : memref<!tpu.dma_semaphore, #tpu.memory_space<semaphore_mem>>)
        %dma_wait3A = arith.constant 0 : i32
        %dma_wait3A_89 = arith.constant 0 : i32
        %dma_wait3A_90 = tpu.memref_slice %arg9[%scan3A_7, %dma_wait3A, %dma_wait3A_89] : memref<2x128x128xf32, #tpu.memory_space<vmem>> -> memref<1x128x128xf32, #tpu.memory_space<vmem>>
        %dma_wait3A_91 = tpu.memref_squeeze %dma_wait3A_90 : memref<1x128x128xf32, #tpu.memory_space<vmem>> -> memref<128x128xf32, #tpu.memory_space<vmem>>
        %dma_wait3A_92 = arith.constant 0 : i32
        %dma_wait3A_93 = tpu.memref_slice %arg6[%add3A_75, %dma_wait3A_92] : memref<10240x128xf32, #tpu.memory_space<vmem_shared>> -> memref<128x128xf32, #tpu.memory_space<vmem_shared>>
        %dma_wait3A_94 = arith.constant 0 : i32
        %dma_wait3A_95 = tpu.memref_slice %arg6[%add3A_75, %dma_wait3A_94] : memref<10240x128xf32, #tpu.memory_space<vmem_shared>> -> memref<128x128xf32, #tpu.memory_space<vmem_shared>>
        %dma_wait3A_96 = arith.constant 0 : i32
        %dma_wait3A_97 = arith.constant 0 : i32
        %dma_wait3A_98 = tpu.memref_slice %arg9[%scan3A_7, %dma_wait3A_96, %dma_wait3A_97] : memref<2x128x128xf32, #tpu.memory_space<vmem>> -> memref<1x128x128xf32, #tpu.memory_space<vmem>>
        %dma_wait3A_99 = tpu.memref_squeeze %dma_wait3A_98 : memref<1x128x128xf32, #tpu.memory_space<vmem>> -> memref<128x128xf32, #tpu.memory_space<vmem>>
        tpu.wait_dma2 semaphore(%run_scoped3A : memref<!tpu.dma_semaphore, #tpu.memory_space<semaphore_mem>>) src(%dma_wait3A_99 : memref<128x128xf32, #tpu.memory_space<vmem>>) dst(%dma_wait3A_95 : memref<128x128xf32, #tpu.memory_space<vmem_shared>>)
        tpu.yield
      }) : () -> ()
      %scan3A_76 = arith.constant 0 : i32
      scf.yield %scan3A_76 : i32
    }
    %scan3A_14 = arith.constant 5 : i32
    %barrier3A = arith.constant 0 : index
    tpu.barrier barrier_id(%barrier3A)
    %rem3A = arith.constant 0 : i32
    %rem3A_15 = arith.constant 2 : i32
    %rem3A_16 = arith.remsi %rem3A, %rem3A_15 : i32
    %mul3A = arith.constant 16 : i32
    %mul3A_17 = arith.muli %arg0, %mul3A : i32
    %add3A = arith.addi %mul3A_17, %arg1 : i32
    "tpu.region"() ({
      %run_scoped3A = tpu.sem_alloc : memref<!tpu.dma_semaphore, #tpu.memory_space<semaphore_mem>>
      %dma_start3A_69 = arith.constant 0 : i32
      %dma_start3A_70 = arith.constant 0 : i32
      %dma_start3A_71 = tpu.memref_slice %arg7[%rem3A_16, %dma_start3A_69, %dma_start3A_70] : memref<2x16x128xi32, #tpu.memory_space<vmem>> -> memref<1x16x128xi32, #tpu.memory_space<vmem>>
      %dma_start3A_72 = tpu.memref_squeeze %dma_start3A_71 : memref<1x16x128xi32, #tpu.memory_space<vmem>> -> memref<16x128xi32, #tpu.memory_space<vmem>>
      %dma_start3A_73 = arith.constant 0 : i32
      %dma_start3A_74 = arith.constant 0 : i32
      %dma_start3A_75 = tpu.memref_slice %arg3[%add3A, %dma_start3A_73, %dma_start3A_74] : memref<32x80x128xi32, #tpu.memory_space<hbm>> -> memref<1x16x128xi32, #tpu.memory_space<hbm>>
      %dma_start3A_76 = tpu.memref_squeeze %dma_start3A_75 : memref<1x16x128xi32, #tpu.memory_space<hbm>> -> memref<16x128xi32, #tpu.memory_space<hbm>>
      %dma_start3A_77 = arith.constant 0 : i32
      %dma_start3A_78 = arith.constant 0 : i32
      %dma_start3A_79 = tpu.memref_slice %arg7[%rem3A_16, %dma_start3A_77, %dma_start3A_78] : memref<2x16x128xi32, #tpu.memory_space<vmem>> -> memref<1x16x128xi32, #tpu.memory_space<vmem>>
      %dma_start3A_80 = tpu.memref_squeeze %dma_start3A_79 : memref<1x16x128xi32, #tpu.memory_space<vmem>> -> memref<16x128xi32, #tpu.memory_space<vmem>>
      %dma_start3A_81 = arith.constant 0 : i32
      %dma_start3A_82 = arith.constant 0 : i32
      %dma_start3A_83 = tpu.memref_slice %arg3[%add3A, %dma_start3A_81, %dma_start3A_82] : memref<32x80x128xi32, #tpu.memory_space<hbm>> -> memref<1x16x128xi32, #tpu.memory_space<hbm>>
      %dma_start3A_84 = tpu.memref_squeeze %dma_start3A_83 : memref<1x16x128xi32, #tpu.memory_space<hbm>> -> memref<16x128xi32, #tpu.memory_space<hbm>>
      tpu.enqueue_dma source(%dma_start3A_84 : memref<16x128xi32, #tpu.memory_space<hbm>>) target(%dma_start3A_80 : memref<16x128xi32, #tpu.memory_space<vmem>>) target_semaphore(%run_scoped3A : memref<!tpu.dma_semaphore, #tpu.memory_space<semaphore_mem>>)
      %dma_wait3A = arith.constant 0 : i32
      %dma_wait3A_85 = arith.constant 0 : i32
      %dma_wait3A_86 = tpu.memref_slice %arg7[%rem3A_16, %dma_wait3A, %dma_wait3A_85] : memref<2x16x128xi32, #tpu.memory_space<vmem>> -> memref<1x16x128xi32, #tpu.memory_space<vmem>>
      %dma_wait3A_87 = tpu.memref_squeeze %dma_wait3A_86 : memref<1x16x128xi32, #tpu.memory_space<vmem>> -> memref<16x128xi32, #tpu.memory_space<vmem>>
      %dma_wait3A_88 = arith.constant 0 : i32
      %dma_wait3A_89 = arith.constant 0 : i32
      %dma_wait3A_90 = tpu.memref_slice %arg3[%add3A, %dma_wait3A_88, %dma_wait3A_89] : memref<32x80x128xi32, #tpu.memory_space<hbm>> -> memref<1x16x128xi32, #tpu.memory_space<hbm>>
      %dma_wait3A_91 = tpu.memref_squeeze %dma_wait3A_90 : memref<1x16x128xi32, #tpu.memory_space<hbm>> -> memref<16x128xi32, #tpu.memory_space<hbm>>
      %dma_wait3A_92 = arith.constant 0 : i32
      %dma_wait3A_93 = arith.constant 0 : i32
      %dma_wait3A_94 = tpu.memref_slice %arg7[%rem3A_16, %dma_wait3A_92, %dma_wait3A_93] : memref<2x16x128xi32, #tpu.memory_space<vmem>> -> memref<1x16x128xi32, #tpu.memory_space<vmem>>
      %dma_wait3A_95 = tpu.memref_squeeze %dma_wait3A_94 : memref<1x16x128xi32, #tpu.memory_space<vmem>> -> memref<16x128xi32, #tpu.memory_space<vmem>>
      %dma_wait3A_96 = arith.constant 0 : i32
      %dma_wait3A_97 = arith.constant 0 : i32
      %dma_wait3A_98 = tpu.memref_slice %arg3[%add3A, %dma_wait3A_96, %dma_wait3A_97] : memref<32x80x128xi32, #tpu.memory_space<hbm>> -> memref<1x16x128xi32, #tpu.memory_space<hbm>>
      %dma_wait3A_99 = tpu.memref_squeeze %dma_wait3A_98 : memref<1x16x128xi32, #tpu.memory_space<hbm>> -> memref<16x128xi32, #tpu.memory_space<hbm>>
      tpu.wait_dma2 semaphore(%run_scoped3A : memref<!tpu.dma_semaphore, #tpu.memory_space<semaphore_mem>>) src(%dma_wait3A_99 : memref<16x128xi32, #tpu.memory_space<hbm>>) dst(%dma_wait3A_95 : memref<16x128xi32, #tpu.memory_space<vmem>>)
      tpu.yield
    }) : () -> ()
    "tpu.region"() ({
      %run_scoped3A = tpu.sem_alloc : memref<!tpu.dma_semaphore, #tpu.memory_space<semaphore_mem>>
      %dma_start3A_69 = arith.constant 0 : i32
      %dma_start3A_70 = arith.constant 0 : i32
      %dma_start3A_71 = tpu.memref_slice %arg8[%rem3A_16, %dma_start3A_69, %dma_start3A_70] : memref<2x16x128xi32, #tpu.memory_space<vmem>> -> memref<1x16x128xi32, #tpu.memory_space<vmem>>
      %dma_start3A_72 = tpu.memref_squeeze %dma_start3A_71 : memref<1x16x128xi32, #tpu.memory_space<vmem>> -> memref<16x128xi32, #tpu.memory_space<vmem>>
      %dma_start3A_73 = arith.constant 0 : i32
      %dma_start3A_74 = arith.constant 0 : i32
      %dma_start3A_75 = tpu.memref_slice %arg4[%add3A, %dma_start3A_73, %dma_start3A_74] : memref<32x80x128xi32, #tpu.memory_space<hbm>> -> memref<1x16x128xi32, #tpu.memory_space<hbm>>
      %dma_start3A_76 = tpu.memref_squeeze %dma_start3A_75 : memref<1x16x128xi32, #tpu.memory_space<hbm>> -> memref<16x128xi32, #tpu.memory_space<hbm>>
      %dma_start3A_77 = arith.constant 0 : i32
      %dma_start3A_78 = arith.constant 0 : i32
      %dma_start3A_79 = tpu.memref_slice %arg8[%rem3A_16, %dma_start3A_77, %dma_start3A_78] : memref<2x16x128xi32, #tpu.memory_space<vmem>> -> memref<1x16x128xi32, #tpu.memory_space<vmem>>
      %dma_start3A_80 = tpu.memref_squeeze %dma_start3A_79 : memref<1x16x128xi32, #tpu.memory_space<vmem>> -> memref<16x128xi32, #tpu.memory_space<vmem>>
      %dma_start3A_81 = arith.constant 0 : i32
      %dma_start3A_82 = arith.constant 0 : i32
      %dma_start3A_83 = tpu.memref_slice %arg4[%add3A, %dma_start3A_81, %dma_start3A_82] : memref<32x80x128xi32, #tpu.memory_space<hbm>> -> memref<1x16x128xi32, #tpu.memory_space<hbm>>
      %dma_start3A_84 = tpu.memref_squeeze %dma_start3A_83 : memref<1x16x128xi32, #tpu.memory_space<hbm>> -> memref<16x128xi32, #tpu.memory_space<hbm>>
      tpu.enqueue_dma source(%dma_start3A_84 : memref<16x128xi32, #tpu.memory_space<hbm>>) target(%dma_start3A_80 : memref<16x128xi32, #tpu.memory_space<vmem>>) target_semaphore(%run_scoped3A : memref<!tpu.dma_semaphore, #tpu.memory_space<semaphore_mem>>)
      %dma_wait3A = arith.constant 0 : i32
      %dma_wait3A_85 = arith.constant 0 : i32
      %dma_wait3A_86 = tpu.memref_slice %arg8[%rem3A_16, %dma_wait3A, %dma_wait3A_85] : memref<2x16x128xi32, #tpu.memory_space<vmem>> -> memref<1x16x128xi32, #tpu.memory_space<vmem>>
      %dma_wait3A_87 = tpu.memref_squeeze %dma_wait3A_86 : memref<1x16x128xi32, #tpu.memory_space<vmem>> -> memref<16x128xi32, #tpu.memory_space<vmem>>
      %dma_wait3A_88 = arith.constant 0 : i32
      %dma_wait3A_89 = arith.constant 0 : i32
      %dma_wait3A_90 = tpu.memref_slice %arg4[%add3A, %dma_wait3A_88, %dma_wait3A_89] : memref<32x80x128xi32, #tpu.memory_space<hbm>> -> memref<1x16x128xi32, #tpu.memory_space<hbm>>
      %dma_wait3A_91 = tpu.memref_squeeze %dma_wait3A_90 : memref<1x16x128xi32, #tpu.memory_space<hbm>> -> memref<16x128xi32, #tpu.memory_space<hbm>>
      %dma_wait3A_92 = arith.constant 0 : i32
      %dma_wait3A_93 = arith.constant 0 : i32
      %dma_wait3A_94 = tpu.memref_slice %arg8[%rem3A_16, %dma_wait3A_92, %dma_wait3A_93] : memref<2x16x128xi32, #tpu.memory_space<vmem>> -> memref<1x16x128xi32, #tpu.memory_space<vmem>>
      %dma_wait3A_95 = tpu.memref_squeeze %dma_wait3A_94 : memref<1x16x128xi32, #tpu.memory_space<vmem>> -> memref<16x128xi32, #tpu.memory_space<vmem>>
      %dma_wait3A_96 = arith.constant 0 : i32
      %dma_wait3A_97 = arith.constant 0 : i32
      %dma_wait3A_98 = tpu.memref_slice %arg4[%add3A, %dma_wait3A_96, %dma_wait3A_97] : memref<32x80x128xi32, #tpu.memory_space<hbm>> -> memref<1x16x128xi32, #tpu.memory_space<hbm>>
      %dma_wait3A_99 = tpu.memref_squeeze %dma_wait3A_98 : memref<1x16x128xi32, #tpu.memory_space<hbm>> -> memref<16x128xi32, #tpu.memory_space<hbm>>
      tpu.wait_dma2 semaphore(%run_scoped3A : memref<!tpu.dma_semaphore, #tpu.memory_space<semaphore_mem>>) src(%dma_wait3A_99 : memref<16x128xi32, #tpu.memory_space<hbm>>) dst(%dma_wait3A_95 : memref<16x128xi32, #tpu.memory_space<vmem>>)
      tpu.yield
    }) : () -> ()
    %rem3A_18 = arith.constant 0 : i32
    %rem3A_19 = arith.constant 16 : i32
    %rem3A_20 = arith.remsi %rem3A_18, %rem3A_19 : i32
    %rem3A_21 = arith.constant 0 : i32
    %rem3A_22 = arith.constant 2 : i32
    %rem3A_23 = arith.remsi %rem3A_21, %rem3A_22 : i32
    %dma_start3A = arith.constant 0 : i32
    %dma_start3A_24 = arith.constant 0 : i32
    %dma_start3A_25 = arith.constant 0 : i32
    %dma_start3A_26 = arith.constant 0 : i32
    %dma_start3A_27 = tpu.memref_slice %arg9[%dma_start3A, %dma_start3A_25, %dma_start3A_26] : memref<2x128x128xf32, #tpu.memory_space<vmem>> -> memref<1x128x128xf32, #tpu.memory_space<vmem>>
    %dma_start3A_28 = tpu.memref_squeeze %dma_start3A_27 : memref<1x128x128xf32, #tpu.memory_space<vmem>> -> memref<128x128xf32, #tpu.memory_space<vmem>>
    %dma_start3A_29 = arith.constant 0 : i32
    %dma_start3A_30 = tpu.memref_slice %arg7[%rem3A_23, %rem3A_20, %dma_start3A_29] : memref<2x16x128xi32, #tpu.memory_space<vmem>> -> memref<1x1x128xi32, #tpu.memory_space<vmem>>
    %dma_start3A_31 = tpu.memref_squeeze %dma_start3A_30 : memref<1x1x128xi32, #tpu.memory_space<vmem>> -> memref<128xi32, #tpu.memory_space<vmem>>
    %dma_start3A_32 = arith.constant 0 : i32
    %dma_start3A_33 = arith.constant 0 : i32
    %dma_start3A_34 = tpu.memref_slice %arg2[%dma_start3A_32, %dma_start3A_33] : memref<10240x128xf32, #tpu.memory_space<hbm>> -> memref<10240x128xf32, #tpu.memory_space<hbm>>
    %dma_start3A_35 = tpu.memref_slice %arg10[%dma_start3A_24] : memref<2x!tpu.dma_semaphore, #tpu.memory_space<semaphore_mem>> -> memref<1x!tpu.dma_semaphore, #tpu.memory_space<semaphore_mem>>
    %dma_start3A_36 = tpu.memref_squeeze %dma_start3A_35 : memref<1x!tpu.dma_semaphore, #tpu.memory_space<semaphore_mem>> -> memref<!tpu.dma_semaphore, #tpu.memory_space<semaphore_mem>>
    tpu.enqueue_indirect_dma source(%dma_start3A_34 : memref<10240x128xf32, #tpu.memory_space<hbm>>) target(%dma_start3A_28 : memref<128x128xf32, #tpu.memory_space<vmem>>) offsets(%dma_start3A_31 : memref<128xi32, #tpu.memory_space<vmem>>) semaphore(%dma_start3A_36 : memref<!tpu.dma_semaphore, #tpu.memory_space<semaphore_mem>>)
    %rem3A_37 = arith.constant 1 : i32
    %rem3A_38 = arith.constant 16 : i32
    %rem3A_39 = arith.remsi %rem3A_37, %rem3A_38 : i32
    %rem3A_40 = arith.constant 0 : i32
    %rem3A_41 = arith.constant 2 : i32
    %rem3A_42 = arith.remsi %rem3A_40, %rem3A_41 : i32
    %dma_start3A_43 = arith.constant 1 : i32
    %dma_start3A_44 = arith.constant 1 : i32
    %dma_start3A_45 = arith.constant 0 : i32
    %dma_start3A_46 = arith.constant 0 : i32
    %dma_start3A_47 = tpu.memref_slice %arg9[%dma_start3A_43, %dma_start3A_45, %dma_start3A_46] : memref<2x128x128xf32, #tpu.memory_space<vmem>> -> memref<1x128x128xf32, #tpu.memory_space<vmem>>
    %dma_start3A_48 = tpu.memref_squeeze %dma_start3A_47 : memref<1x128x128xf32, #tpu.memory_space<vmem>> -> memref<128x128xf32, #tpu.memory_space<vmem>>
    %dma_start3A_49 = arith.constant 0 : i32
    %dma_start3A_50 = tpu.memref_slice %arg7[%rem3A_42, %rem3A_39, %dma_start3A_49] : memref<2x16x128xi32, #tpu.memory_space<vmem>> -> memref<1x1x128xi32, #tpu.memory_space<vmem>>
    %dma_start3A_51 = tpu.memref_squeeze %dma_start3A_50 : memref<1x1x128xi32, #tpu.memory_space<vmem>> -> memref<128xi32, #tpu.memory_space<vmem>>
    %dma_start3A_52 = arith.constant 0 : i32
    %dma_start3A_53 = arith.constant 0 : i32
    %dma_start3A_54 = tpu.memref_slice %arg2[%dma_start3A_52, %dma_start3A_53] : memref<10240x128xf32, #tpu.memory_space<hbm>> -> memref<10240x128xf32, #tpu.memory_space<hbm>>
    %dma_start3A_55 = tpu.memref_slice %arg10[%dma_start3A_44] : memref<2x!tpu.dma_semaphore, #tpu.memory_space<semaphore_mem>> -> memref<1x!tpu.dma_semaphore, #tpu.memory_space<semaphore_mem>>
    %dma_start3A_56 = tpu.memref_squeeze %dma_start3A_55 : memref<1x!tpu.dma_semaphore, #tpu.memory_space<semaphore_mem>> -> memref<!tpu.dma_semaphore, #tpu.memory_space<semaphore_mem>>
    tpu.enqueue_indirect_dma source(%dma_start3A_54 : memref<10240x128xf32, #tpu.memory_space<hbm>>) target(%dma_start3A_48 : memref<128x128xf32, #tpu.memory_space<vmem>>) offsets(%dma_start3A_51 : memref<128xi32, #tpu.memory_space<vmem>>) semaphore(%dma_start3A_56 : memref<!tpu.dma_semaphore, #tpu.memory_space<semaphore_mem>>)
    %scan3A_57 = arith.constant 0 : i32
    %scan3A_58 = arith.constant 0 : i32
    %scan3A_59 = arith.constant 80 : i32
    %scan3A_60 = arith.addi %scan3A_58, %scan3A_59 : i32
    %scan3A_61 = arith.constant 1 : i32
    %scan3A_62 = scf.for %scan3A_69 = %scan3A_58 to %scan3A_60 step %scan3A_61 iter_args(%scan3A_70 = %scan3A_57) -> (i32)  : i32 {
      %rem3A_71 = arith.constant 2 : i32
      %rem3A_72 = arith.remsi %scan3A_69, %rem3A_71 : i32
      %dma_wait3A = arith.constant 0 : i32
      %dma_wait3A_73 = arith.constant 0 : i32
      %dma_wait3A_74 = arith.constant 0 : i32
      %dma_wait3A_75 = arith.constant 0 : i32
      %dma_wait3A_76 = tpu.memref_slice %arg9[%rem3A_72, %dma_wait3A_74, %dma_wait3A_75] : memref<2x128x128xf32, #tpu.memory_space<vmem>> -> memref<1x128x128xf32, #tpu.memory_space<vmem>>
      %dma_wait3A_77 = tpu.memref_squeeze %dma_wait3A_76 : memref<1x128x128xf32, #tpu.memory_space<vmem>> -> memref<128x128xf32, #tpu.memory_space<vmem>>
      %dma_wait3A_78 = arith.constant 0 : i32
      %dma_wait3A_79 = tpu.memref_slice %arg7[%dma_wait3A, %dma_wait3A_73, %dma_wait3A_78] : memref<2x16x128xi32, #tpu.memory_space<vmem>> -> memref<1x1x128xi32, #tpu.memory_space<vmem>>
      %dma_wait3A_80 = tpu.memref_squeeze %dma_wait3A_79 : memref<1x1x128xi32, #tpu.memory_space<vmem>> -> memref<128xi32, #tpu.memory_space<vmem>>
      %dma_wait3A_81 = arith.constant 0 : i32
      %dma_wait3A_82 = arith.constant 0 : i32
      %dma_wait3A_83 = tpu.memref_slice %arg2[%dma_wait3A_81, %dma_wait3A_82] : memref<10240x128xf32, #tpu.memory_space<hbm>> -> memref<10240x128xf32, #tpu.memory_space<hbm>>
      %dma_wait3A_84 = tpu.memref_slice %arg10[%rem3A_72] : memref<2x!tpu.dma_semaphore, #tpu.memory_space<semaphore_mem>> -> memref<1x!tpu.dma_semaphore, #tpu.memory_space<semaphore_mem>>
      %dma_wait3A_85 = tpu.memref_squeeze %dma_wait3A_84 : memref<1x!tpu.dma_semaphore, #tpu.memory_space<semaphore_mem>> -> memref<!tpu.dma_semaphore, #tpu.memory_space<semaphore_mem>>
      tpu.wait_indirect_dma semaphore(%dma_wait3A_85 : memref<!tpu.dma_semaphore, #tpu.memory_space<semaphore_mem>>) src(%dma_wait3A_83 : memref<10240x128xf32, #tpu.memory_space<hbm>>) dst(%dma_wait3A_77 : memref<128x128xf32, #tpu.memory_space<vmem>>)
      %jit3A = arith.constant 16 : i32
      %div3A = arith.divsi %scan3A_69, %jit3A : i32
      %sign3A = arith.constant 0 : i32
      %sign3A_86 = arith.cmpi sgt, %scan3A_69, %sign3A : i32
      %sign3A_87 = arith.extui %sign3A_86 : i1 to i32
      %sign3A_88 = arith.constant 0 : i32
      %sign3A_89 = arith.cmpi slt, %scan3A_69, %sign3A_88 : i32
      %sign3A_90 = arith.extui %sign3A_89 : i1 to i32
      %sign3A_91 = arith.subi %sign3A_87, %sign3A_90 : i32
      %sign3A_92 = arith.constant 0 : i32
      %sign3A_93 = arith.cmpi sgt, %jit3A, %sign3A_92 : i32
      %sign3A_94 = arith.extui %sign3A_93 : i1 to i32
      %sign3A_95 = arith.constant 0 : i32
      %sign3A_96 = arith.cmpi slt, %jit3A, %sign3A_95 : i32
      %sign3A_97 = arith.extui %sign3A_96 : i1 to i32
      %sign3A_98 = arith.subi %sign3A_94, %sign3A_97 : i32
      %ne3A = arith.cmpi ne, %sign3A_91, %sign3A_98 : i32
      %rem3A_99 = arith.remsi %scan3A_69, %jit3A : i32
      %ne3A_100 = arith.constant 0 : i32
      %ne3A_101 = arith.cmpi ne, %rem3A_99, %ne3A_100 : i32
      %and3A = arith.andi %ne3A, %ne3A_101 : i1
      %sub3A = arith.constant 1 : i32
      %sub3A_102 = arith.subi %div3A, %sub3A : i32
      %select_n3A = arith.select %and3A, %sub3A_102, %div3A : i32
      %rem3A_103 = arith.constant 2 : i32
      %rem3A_104 = arith.remsi %select_n3A, %rem3A_103 : i32
      %rem3A_105 = arith.constant 16 : i32
      %rem3A_106 = arith.remsi %scan3A_69, %rem3A_105 : i32
      "tpu.region"() ({
        %run_scoped3A = tpu.sem_alloc : memref<!tpu.dma_semaphore, #tpu.memory_space<semaphore_mem>>
        %dma_start3A_112 = arith.constant 0 : i32
        %dma_start3A_113 = arith.constant 0 : i32
        %dma_start3A_114 = tpu.memref_slice %arg9[%rem3A_72, %dma_start3A_112, %dma_start3A_113] : memref<2x128x128xf32, #tpu.memory_space<vmem>> -> memref<1x128x128xf32, #tpu.memory_space<vmem>>
        %dma_start3A_115 = tpu.memref_squeeze %dma_start3A_114 : memref<1x128x128xf32, #tpu.memory_space<vmem>> -> memref<128x128xf32, #tpu.memory_space<vmem>>
        %dma_start3A_116 = arith.constant 0 : i32
        %dma_start3A_117 = tpu.memref_slice %arg8[%rem3A_104, %rem3A_106, %dma_start3A_116] : memref<2x16x128xi32, #tpu.memory_space<vmem>> -> memref<1x1x128xi32, #tpu.memory_space<vmem>>
        %dma_start3A_118 = tpu.memref_squeeze %dma_start3A_117 : memref<1x1x128xi32, #tpu.memory_space<vmem>> -> memref<128xi32, #tpu.memory_space<vmem>>
        %dma_start3A_119 = arith.constant 0 : i32
        %dma_start3A_120 = arith.constant 0 : i32
        %dma_start3A_121 = tpu.memref_slice %arg6[%dma_start3A_119, %dma_start3A_120] : memref<10240x128xf32, #tpu.memory_space<vmem_shared>> -> memref<10240x128xf32, #tpu.memory_space<vmem_shared>>
        tpu.enqueue_indirect_dma source(%dma_start3A_115 : memref<128x128xf32, #tpu.memory_space<vmem>>) target(%dma_start3A_121 : memref<10240x128xf32, #tpu.memory_space<vmem_shared>>) offsets(%dma_start3A_118 : memref<128xi32, #tpu.memory_space<vmem>>) semaphore(%run_scoped3A : memref<!tpu.dma_semaphore, #tpu.memory_space<semaphore_mem>>) {add = true}
        %dma_wait3A_122 = arith.constant 0 : i32
        %dma_wait3A_123 = arith.constant 0 : i32
        %dma_wait3A_124 = tpu.memref_slice %arg9[%rem3A_72, %dma_wait3A_122, %dma_wait3A_123] : memref<2x128x128xf32, #tpu.memory_space<vmem>> -> memref<1x128x128xf32, #tpu.memory_space<vmem>>
        %dma_wait3A_125 = tpu.memref_squeeze %dma_wait3A_124 : memref<1x128x128xf32, #tpu.memory_space<vmem>> -> memref<128x128xf32, #tpu.memory_space<vmem>>
        %dma_wait3A_126 = arith.constant 0 : i32
        %dma_wait3A_127 = tpu.memref_slice %arg8[%rem3A_104, %rem3A_106, %dma_wait3A_126] : memref<2x16x128xi32, #tpu.memory_space<vmem>> -> memref<1x1x128xi32, #tpu.memory_space<vmem>>
        %dma_wait3A_128 = tpu.memref_squeeze %dma_wait3A_127 : memref<1x1x128xi32, #tpu.memory_space<vmem>> -> memref<128xi32, #tpu.memory_space<vmem>>
        %dma_wait3A_129 = arith.constant 0 : i32
        %dma_wait3A_130 = arith.constant 0 : i32
        %dma_wait3A_131 = tpu.memref_slice %arg6[%dma_wait3A_129, %dma_wait3A_130] : memref<10240x128xf32, #tpu.memory_space<vmem_shared>> -> memref<10240x128xf32, #tpu.memory_space<vmem_shared>>
        tpu.wait_indirect_dma semaphore(%run_scoped3A : memref<!tpu.dma_semaphore, #tpu.memory_space<semaphore_mem>>) src(%dma_wait3A_125 : memref<128x128xf32, #tpu.memory_space<vmem>>) dst(%dma_wait3A_131 : memref<10240x128xf32, #tpu.memory_space<vmem_shared>>)
        tpu.yield
      }) : () -> ()
      %add3A_107 = arith.constant 2 : i32
      %add3A_108 = arith.addi %scan3A_69, %add3A_107 : i32
      %lt3A = arith.constant 80 : i32
      %lt3A_109 = arith.cmpi slt, %add3A_108, %lt3A : i32
      %convert_element_type3A = arith.extui %lt3A_109 : i1 to i32
      %cond3A = arith.constant 0 : i32
      %cond3A_110 = arith.cmpi ne, %convert_element_type3A, %cond3A : i32
      scf.if %cond3A_110 {
        %rem3A_112 = arith.constant 16 : i32
        %rem3A_113 = arith.remsi %add3A_108, %rem3A_112 : i32
        %eq3A = arith.constant 0 : i32
        %eq3A_114 = arith.cmpi eq, %rem3A_113, %eq3A : i32
        %convert_element_type3A_115 = arith.extui %eq3A_114 : i1 to i32
        %cond3A_116 = arith.constant 0 : i32
        %cond3A_117 = arith.cmpi ne, %convert_element_type3A_115, %cond3A_116 : i32
        scf.if %cond3A_117 {
          %jit3A_158 = arith.constant 16 : i32
          %div3A_159 = arith.divsi %add3A_108, %jit3A_158 : i32
          %sign3A_160 = arith.constant 0 : i32
          %sign3A_161 = arith.cmpi sgt, %add3A_108, %sign3A_160 : i32
          %sign3A_162 = arith.extui %sign3A_161 : i1 to i32
          %sign3A_163 = arith.constant 0 : i32
          %sign3A_164 = arith.cmpi slt, %add3A_108, %sign3A_163 : i32
          %sign3A_165 = arith.extui %sign3A_164 : i1 to i32
          %sign3A_166 = arith.subi %sign3A_162, %sign3A_165 : i32
          %sign3A_167 = arith.constant 0 : i32
          %sign3A_168 = arith.cmpi sgt, %jit3A_158, %sign3A_167 : i32
          %sign3A_169 = arith.extui %sign3A_168 : i1 to i32
          %sign3A_170 = arith.constant 0 : i32
          %sign3A_171 = arith.cmpi slt, %jit3A_158, %sign3A_170 : i32
          %sign3A_172 = arith.extui %sign3A_171 : i1 to i32
          %sign3A_173 = arith.subi %sign3A_169, %sign3A_172 : i32
          %ne3A_174 = arith.cmpi ne, %sign3A_166, %sign3A_173 : i32
          %rem3A_175 = arith.remsi %add3A_108, %jit3A_158 : i32
          %ne3A_176 = arith.constant 0 : i32
          %ne3A_177 = arith.cmpi ne, %rem3A_175, %ne3A_176 : i32
          %and3A_178 = arith.andi %ne3A_174, %ne3A_177 : i1
          %sub3A_179 = arith.constant 1 : i32
          %sub3A_180 = arith.subi %div3A_159, %sub3A_179 : i32
          %select_n3A_181 = arith.select %and3A_178, %sub3A_180, %div3A_159 : i32
          %rem3A_182 = arith.constant 2 : i32
          %rem3A_183 = arith.remsi %select_n3A_181, %rem3A_182 : i32
          %mul3A_184 = arith.constant 16 : i32
          %mul3A_185 = arith.muli %arg0, %mul3A_184 : i32
          %add3A_186 = arith.addi %mul3A_185, %arg1 : i32
          %mul3A_187 = arith.constant 16 : i32
          %mul3A_188 = arith.muli %select_n3A_181, %mul3A_187 : i32
          "tpu.region"() ({
            %run_scoped3A = tpu.sem_alloc : memref<!tpu.dma_semaphore, #tpu.memory_space<semaphore_mem>>
            %dma_start3A_191 = arith.constant 0 : i32
            %dma_start3A_192 = arith.constant 0 : i32
            %dma_start3A_193 = tpu.memref_slice %arg7[%rem3A_183, %dma_start3A_191, %dma_start3A_192] : memref<2x16x128xi32, #tpu.memory_space<vmem>> -> memref<1x16x128xi32, #tpu.memory_space<vmem>>
            %dma_start3A_194 = tpu.memref_squeeze %dma_start3A_193 : memref<1x16x128xi32, #tpu.memory_space<vmem>> -> memref<16x128xi32, #tpu.memory_space<vmem>>
            %dma_start3A_195 = arith.constant 0 : i32
            %dma_start3A_196 = tpu.memref_slice %arg3[%add3A_186, %mul3A_188, %dma_start3A_195] : memref<32x80x128xi32, #tpu.memory_space<hbm>> -> memref<1x16x128xi32, #tpu.memory_space<hbm>>
            %dma_start3A_197 = tpu.memref_squeeze %dma_start3A_196 : memref<1x16x128xi32, #tpu.memory_space<hbm>> -> memref<16x128xi32, #tpu.memory_space<hbm>>
            %dma_start3A_198 = arith.constant 0 : i32
            %dma_start3A_199 = arith.constant 0 : i32
            %dma_start3A_200 = tpu.memref_slice %arg7[%rem3A_183, %dma_start3A_198, %dma_start3A_199] : memref<2x16x128xi32, #tpu.memory_space<vmem>> -> memref<1x16x128xi32, #tpu.memory_space<vmem>>
            %dma_start3A_201 = tpu.memref_squeeze %dma_start3A_200 : memref<1x16x128xi32, #tpu.memory_space<vmem>> -> memref<16x128xi32, #tpu.memory_space<vmem>>
            %dma_start3A_202 = arith.constant 0 : i32
            %dma_start3A_203 = tpu.memref_slice %arg3[%add3A_186, %mul3A_188, %dma_start3A_202] : memref<32x80x128xi32, #tpu.memory_space<hbm>> -> memref<1x16x128xi32, #tpu.memory_space<hbm>>
            %dma_start3A_204 = tpu.memref_squeeze %dma_start3A_203 : memref<1x16x128xi32, #tpu.memory_space<hbm>> -> memref<16x128xi32, #tpu.memory_space<hbm>>
            tpu.enqueue_dma source(%dma_start3A_204 : memref<16x128xi32, #tpu.memory_space<hbm>>) target(%dma_start3A_201 : memref<16x128xi32, #tpu.memory_space<vmem>>) target_semaphore(%run_scoped3A : memref<!tpu.dma_semaphore, #tpu.memory_space<semaphore_mem>>)
            %dma_wait3A_205 = arith.constant 0 : i32
            %dma_wait3A_206 = arith.constant 0 : i32
            %dma_wait3A_207 = tpu.memref_slice %arg7[%rem3A_183, %dma_wait3A_205, %dma_wait3A_206] : memref<2x16x128xi32, #tpu.memory_space<vmem>> -> memref<1x16x128xi32, #tpu.memory_space<vmem>>
            %dma_wait3A_208 = tpu.memref_squeeze %dma_wait3A_207 : memref<1x16x128xi32, #tpu.memory_space<vmem>> -> memref<16x128xi32, #tpu.memory_space<vmem>>
            %dma_wait3A_209 = arith.constant 0 : i32
            %dma_wait3A_210 = tpu.memref_slice %arg3[%add3A_186, %mul3A_188, %dma_wait3A_209] : memref<32x80x128xi32, #tpu.memory_space<hbm>> -> memref<1x16x128xi32, #tpu.memory_space<hbm>>
            %dma_wait3A_211 = tpu.memref_squeeze %dma_wait3A_210 : memref<1x16x128xi32, #tpu.memory_space<hbm>> -> memref<16x128xi32, #tpu.memory_space<hbm>>
            %dma_wait3A_212 = arith.constant 0 : i32
            %dma_wait3A_213 = arith.constant 0 : i32
            %dma_wait3A_214 = tpu.memref_slice %arg7[%rem3A_183, %dma_wait3A_212, %dma_wait3A_213] : memref<2x16x128xi32, #tpu.memory_space<vmem>> -> memref<1x16x128xi32, #tpu.memory_space<vmem>>
            %dma_wait3A_215 = tpu.memref_squeeze %dma_wait3A_214 : memref<1x16x128xi32, #tpu.memory_space<vmem>> -> memref<16x128xi32, #tpu.memory_space<vmem>>
            %dma_wait3A_216 = arith.constant 0 : i32
            %dma_wait3A_217 = tpu.memref_slice %arg3[%add3A_186, %mul3A_188, %dma_wait3A_216] : memref<32x80x128xi32, #tpu.memory_space<hbm>> -> memref<1x16x128xi32, #tpu.memory_space<hbm>>
            %dma_wait3A_218 = tpu.memref_squeeze %dma_wait3A_217 : memref<1x16x128xi32, #tpu.memory_space<hbm>> -> memref<16x128xi32, #tpu.memory_space<hbm>>
            tpu.wait_dma2 semaphore(%run_scoped3A : memref<!tpu.dma_semaphore, #tpu.memory_space<semaphore_mem>>) src(%dma_wait3A_218 : memref<16x128xi32, #tpu.memory_space<hbm>>) dst(%dma_wait3A_215 : memref<16x128xi32, #tpu.memory_space<vmem>>)
            tpu.yield
          }) : () -> ()
          %mul3A_189 = arith.constant 16 : i32
          %mul3A_190 = arith.muli %select_n3A_181, %mul3A_189 : i32
          "tpu.region"() ({
            %run_scoped3A = tpu.sem_alloc : memref<!tpu.dma_semaphore, #tpu.memory_space<semaphore_mem>>
            %dma_start3A_191 = arith.constant 0 : i32
            %dma_start3A_192 = arith.constant 0 : i32
            %dma_start3A_193 = tpu.memref_slice %arg8[%rem3A_183, %dma_start3A_191, %dma_start3A_192] : memref<2x16x128xi32, #tpu.memory_space<vmem>> -> memref<1x16x128xi32, #tpu.memory_space<vmem>>
            %dma_start3A_194 = tpu.memref_squeeze %dma_start3A_193 : memref<1x16x128xi32, #tpu.memory_space<vmem>> -> memref<16x128xi32, #tpu.memory_space<vmem>>
            %dma_start3A_195 = arith.constant 0 : i32
            %dma_start3A_196 = tpu.memref_slice %arg4[%add3A_186, %mul3A_190, %dma_start3A_195] : memref<32x80x128xi32, #tpu.memory_space<hbm>> -> memref<1x16x128xi32, #tpu.memory_space<hbm>>
            %dma_start3A_197 = tpu.memref_squeeze %dma_start3A_196 : memref<1x16x128xi32, #tpu.memory_space<hbm>> -> memref<16x128xi32, #tpu.memory_space<hbm>>
            %dma_start3A_198 = arith.constant 0 : i32
            %dma_start3A_199 = arith.constant 0 : i32
            %dma_start3A_200 = tpu.memref_slice %arg8[%rem3A_183, %dma_start3A_198, %dma_start3A_199] : memref<2x16x128xi32, #tpu.memory_space<vmem>> -> memref<1x16x128xi32, #tpu.memory_space<vmem>>
            %dma_start3A_201 = tpu.memref_squeeze %dma_start3A_200 : memref<1x16x128xi32, #tpu.memory_space<vmem>> -> memref<16x128xi32, #tpu.memory_space<vmem>>
            %dma_start3A_202 = arith.constant 0 : i32
            %dma_start3A_203 = tpu.memref_slice %arg4[%add3A_186, %mul3A_190, %dma_start3A_202] : memref<32x80x128xi32, #tpu.memory_space<hbm>> -> memref<1x16x128xi32, #tpu.memory_space<hbm>>
            %dma_start3A_204 = tpu.memref_squeeze %dma_start3A_203 : memref<1x16x128xi32, #tpu.memory_space<hbm>> -> memref<16x128xi32, #tpu.memory_space<hbm>>
            tpu.enqueue_dma source(%dma_start3A_204 : memref<16x128xi32, #tpu.memory_space<hbm>>) target(%dma_start3A_201 : memref<16x128xi32, #tpu.memory_space<vmem>>) target_semaphore(%run_scoped3A : memref<!tpu.dma_semaphore, #tpu.memory_space<semaphore_mem>>)
            %dma_wait3A_205 = arith.constant 0 : i32
            %dma_wait3A_206 = arith.constant 0 : i32
            %dma_wait3A_207 = tpu.memref_slice %arg8[%rem3A_183, %dma_wait3A_205, %dma_wait3A_206] : memref<2x16x128xi32, #tpu.memory_space<vmem>> -> memref<1x16x128xi32, #tpu.memory_space<vmem>>
            %dma_wait3A_208 = tpu.memref_squeeze %dma_wait3A_207 : memref<1x16x128xi32, #tpu.memory_space<vmem>> -> memref<16x128xi32, #tpu.memory_space<vmem>>
            %dma_wait3A_209 = arith.constant 0 : i32
            %dma_wait3A_210 = tpu.memref_slice %arg4[%add3A_186, %mul3A_190, %dma_wait3A_209] : memref<32x80x128xi32, #tpu.memory_space<hbm>> -> memref<1x16x128xi32, #tpu.memory_space<hbm>>
            %dma_wait3A_211 = tpu.memref_squeeze %dma_wait3A_210 : memref<1x16x128xi32, #tpu.memory_space<hbm>> -> memref<16x128xi32, #tpu.memory_space<hbm>>
            %dma_wait3A_212 = arith.constant 0 : i32
            %dma_wait3A_213 = arith.constant 0 : i32
            %dma_wait3A_214 = tpu.memref_slice %arg8[%rem3A_183, %dma_wait3A_212, %dma_wait3A_213] : memref<2x16x128xi32, #tpu.memory_space<vmem>> -> memref<1x16x128xi32, #tpu.memory_space<vmem>>
            %dma_wait3A_215 = tpu.memref_squeeze %dma_wait3A_214 : memref<1x16x128xi32, #tpu.memory_space<vmem>> -> memref<16x128xi32, #tpu.memory_space<vmem>>
            %dma_wait3A_216 = arith.constant 0 : i32
            %dma_wait3A_217 = tpu.memref_slice %arg4[%add3A_186, %mul3A_190, %dma_wait3A_216] : memref<32x80x128xi32, #tpu.memory_space<hbm>> -> memref<1x16x128xi32, #tpu.memory_space<hbm>>
            %dma_wait3A_218 = tpu.memref_squeeze %dma_wait3A_217 : memref<1x16x128xi32, #tpu.memory_space<hbm>> -> memref<16x128xi32, #tpu.memory_space<hbm>>
            tpu.wait_dma2 semaphore(%run_scoped3A : memref<!tpu.dma_semaphore, #tpu.memory_space<semaphore_mem>>) src(%dma_wait3A_218 : memref<16x128xi32, #tpu.memory_space<hbm>>) dst(%dma_wait3A_215 : memref<16x128xi32, #tpu.memory_space<vmem>>)
            tpu.yield
          }) : () -> ()
        } else {
        }
        %jit3A_118 = arith.constant 16 : i32
        %div3A_119 = arith.divsi %add3A_108, %jit3A_118 : i32
        %sign3A_120 = arith.constant 0 : i32
        %sign3A_121 = arith.cmpi sgt, %add3A_108, %sign3A_120 : i32
        %sign3A_122 = arith.extui %sign3A_121 : i1 to i32
        %sign3A_123 = arith.constant 0 : i32
        %sign3A_124 = arith.cmpi slt, %add3A_108, %sign3A_123 : i32
        %sign3A_125 = arith.extui %sign3A_124 : i1 to i32
        %sign3A_126 = arith.subi %sign3A_122, %sign3A_125 : i32
        %sign3A_127 = arith.constant 0 : i32
        %sign3A_128 = arith.cmpi sgt, %jit3A_118, %sign3A_127 : i32
        %sign3A_129 = arith.extui %sign3A_128 : i1 to i32
        %sign3A_130 = arith.constant 0 : i32
        %sign3A_131 = arith.cmpi slt, %jit3A_118, %sign3A_130 : i32
        %sign3A_132 = arith.extui %sign3A_131 : i1 to i32
        %sign3A_133 = arith.subi %sign3A_129, %sign3A_132 : i32
        %ne3A_134 = arith.cmpi ne, %sign3A_126, %sign3A_133 : i32
        %rem3A_135 = arith.remsi %add3A_108, %jit3A_118 : i32
        %ne3A_136 = arith.constant 0 : i32
        %ne3A_137 = arith.cmpi ne, %rem3A_135, %ne3A_136 : i32
        %and3A_138 = arith.andi %ne3A_134, %ne3A_137 : i1
        %sub3A_139 = arith.constant 1 : i32
        %sub3A_140 = arith.subi %div3A_119, %sub3A_139 : i32
        %select_n3A_141 = arith.select %and3A_138, %sub3A_140, %div3A_119 : i32
        %rem3A_142 = arith.constant 16 : i32
        %rem3A_143 = arith.remsi %add3A_108, %rem3A_142 : i32
        %rem3A_144 = arith.constant 2 : i32
        %rem3A_145 = arith.remsi %select_n3A_141, %rem3A_144 : i32
        %dma_start3A_146 = arith.constant 0 : i32
        %dma_start3A_147 = arith.constant 0 : i32
        %dma_start3A_148 = tpu.memref_slice %arg9[%rem3A_72, %dma_start3A_146, %dma_start3A_147] : memref<2x128x128xf32, #tpu.memory_space<vmem>> -> memref<1x128x128xf32, #tpu.memory_space<vmem>>
        %dma_start3A_149 = tpu.memref_squeeze %dma_start3A_148 : memref<1x128x128xf32, #tpu.memory_space<vmem>> -> memref<128x128xf32, #tpu.memory_space<vmem>>
        %dma_start3A_150 = arith.constant 0 : i32
        %dma_start3A_151 = tpu.memref_slice %arg7[%rem3A_145, %rem3A_143, %dma_start3A_150] : memref<2x16x128xi32, #tpu.memory_space<vmem>> -> memref<1x1x128xi32, #tpu.memory_space<vmem>>
        %dma_start3A_152 = tpu.memref_squeeze %dma_start3A_151 : memref<1x1x128xi32, #tpu.memory_space<vmem>> -> memref<128xi32, #tpu.memory_space<vmem>>
        %dma_start3A_153 = arith.constant 0 : i32
        %dma_start3A_154 = arith.constant 0 : i32
        %dma_start3A_155 = tpu.memref_slice %arg2[%dma_start3A_153, %dma_start3A_154] : memref<10240x128xf32, #tpu.memory_space<hbm>> -> memref<10240x128xf32, #tpu.memory_space<hbm>>
        %dma_start3A_156 = tpu.memref_slice %arg10[%rem3A_72] : memref<2x!tpu.dma_semaphore, #tpu.memory_space<semaphore_mem>> -> memref<1x!tpu.dma_semaphore, #tpu.memory_space<semaphore_mem>>
        %dma_start3A_157 = tpu.memref_squeeze %dma_start3A_156 : memref<1x!tpu.dma_semaphore, #tpu.memory_space<semaphore_mem>> -> memref<!tpu.dma_semaphore, #tpu.memory_space<semaphore_mem>>
        tpu.enqueue_indirect_dma source(%dma_start3A_155 : memref<10240x128xf32, #tpu.memory_space<hbm>>) target(%dma_start3A_149 : memref<128x128xf32, #tpu.memory_space<vmem>>) offsets(%dma_start3A_152 : memref<128xi32, #tpu.memory_space<vmem>>) semaphore(%dma_start3A_157 : memref<!tpu.dma_semaphore, #tpu.memory_space<semaphore_mem>>)
      } else {
      }
      %scan3A_111 = arith.constant 0 : i32
      scf.yield %scan3A_111 : i32
    }
    %scan3A_63 = arith.constant 80 : i32
    %barrier3A_64 = arith.constant 0 : index
    tpu.barrier barrier_id(%barrier3A_64)
    %mul3A_65 = arith.constant 640 : i32
    %mul3A_66 = arith.muli %arg1, %mul3A_65 : i32
    %mul3A_67 = arith.constant 640 : i32
    %mul3A_68 = arith.muli %arg1, %mul3A_67 : i32
    "tpu.region"() ({
      %run_scoped3A = tpu.sem_alloc : memref<!tpu.dma_semaphore, #tpu.memory_space<semaphore_mem>>
      %dma_start3A_69 = arith.constant 0 : i32
      %dma_start3A_70 = tpu.memref_slice %arg5[%arg0, %mul3A_68, %dma_start3A_69] : memref<2x10240x128xf32, #tpu.memory_space<hbm>> -> memref<1x640x128xf32, #tpu.memory_space<hbm>>
      %dma_start3A_71 = tpu.memref_squeeze %dma_start3A_70 : memref<1x640x128xf32, #tpu.memory_space<hbm>> -> memref<640x128xf32, #tpu.memory_space<hbm>>
      %dma_start3A_72 = arith.constant 0 : i32
      %dma_start3A_73 = tpu.memref_slice %arg6[%mul3A_66, %dma_start3A_72] : memref<10240x128xf32, #tpu.memory_space<vmem_shared>> -> memref<640x128xf32, #tpu.memory_space<vmem_shared>>
      tpu.enqueue_dma source(%dma_start3A_73 : memref<640x128xf32, #tpu.memory_space<vmem_shared>>) target(%dma_start3A_71 : memref<640x128xf32, #tpu.memory_space<hbm>>) target_semaphore(%run_scoped3A : memref<!tpu.dma_semaphore, #tpu.memory_space<semaphore_mem>>)
      %dma_wait3A = arith.constant 0 : i32
      %dma_wait3A_74 = tpu.memref_slice %arg5[%arg0, %mul3A_68, %dma_wait3A] : memref<2x10240x128xf32, #tpu.memory_space<hbm>> -> memref<1x640x128xf32, #tpu.memory_space<hbm>>
      %dma_wait3A_75 = tpu.memref_squeeze %dma_wait3A_74 : memref<1x640x128xf32, #tpu.memory_space<hbm>> -> memref<640x128xf32, #tpu.memory_space<hbm>>
      %dma_wait3A_76 = arith.constant 0 : i32
      %dma_wait3A_77 = tpu.memref_slice %arg6[%mul3A_66, %dma_wait3A_76] : memref<10240x128xf32, #tpu.memory_space<vmem_shared>> -> memref<640x128xf32, #tpu.memory_space<vmem_shared>>
      tpu.wait_dma2 semaphore(%run_scoped3A : memref<!tpu.dma_semaphore, #tpu.memory_space<semaphore_mem>>) src(%dma_wait3A_77 : memref<640x128xf32, #tpu.memory_space<vmem_shared>>) dst(%dma_wait3A_75 : memref<640x128xf32, #tpu.memory_space<hbm>>)
      tpu.yield
    }) : () -> ()
    return
  }
}

#map = affine_map<(d0, d1) -> (0, 0)>
#map1 = affine_map<(d0, d1) -> (0, 0, 0, 0)>
#map2 = affine_map<(d0, d1) -> (0, 0, 0)>
module attributes {stable_mosaic.version = 14 : i64} {
  func.func @msg_kernel(%arg0: i32, %arg1: i32, %arg2: memref<20480x128xf32, #tpu.memory_space<hbm>>, %arg3: memref<2x16x160x128xi32, #tpu.memory_space<hbm>>, %arg4: memref<16x160x128xi32, #tpu.memory_space<hbm>>, %arg5: memref<2x10240x128xf32, #tpu.memory_space<hbm>>, %arg6: memref<10240x128xf32, #tpu.memory_space<vmem_shared>>, %arg7: memref<2x16x128xi32, #tpu.memory_space<vmem>>, %arg8: memref<2x16x128xi32, #tpu.memory_space<vmem>>, %arg9: memref<2x128x128xf32, #tpu.memory_space<vmem>>, %arg10: memref<2x!tpu.dma_semaphore, #tpu.memory_space<semaphore_mem>>) attributes {dimension_semantics = [#tpu.dimension_semantics<core_parallel>, #tpu.dimension_semantics<subcore_parallel>], iteration_bounds = array<i64: 2, 16>, scalar_prefetch = 0 : i64, scratch_operands = 5 : i64, tpu.core_type = #tpu.core_type<sc_vector_subcore>, window_params = [{transform_indices = #map}, {transform_indices = #map1}, {transform_indices = #map2}, {transform_indices = #map2}]} {
    %scan3A = arith.constant 0 : i32
    %scan3A_0 = arith.constant 0 : i32
    %scan3A_1 = arith.constant 0 : i32
    %scan3A_2 = arith.constant 128 : i32
    %scan3A_3 = arith.addi %scan3A_1, %scan3A_2 : i32
    %scan3A_4 = arith.constant 1 : i32
    %scan3A_5 = scf.for %scan3A_67 = %scan3A_1 to %scan3A_3 step %scan3A_4 iter_args(%scan3A_68 = %scan3A_0) -> (i32)  : i32 {
      %scan3A_69 = arith.constant 0 : i32
      %scan3A_70 = arith.constant 0 : i32
      %scan3A_71 = arith.constant 8 : i32
      %scan3A_72 = arith.addi %scan3A_70, %scan3A_71 : i32
      %scan3A_73 = arith.constant 1 : i32
      %scan3A_74 = scf.for %scan3A_77 = %scan3A_70 to %scan3A_72 step %scan3A_73 iter_args(%scan3A_78 = %scan3A_69) -> (i32)  : i32 {
        %broadcast_in_dim3A = arith.constant 0.000000e+00 : f32
        %broadcast_in_dim3A_79 = vector.broadcast %broadcast_in_dim3A : f32 to vector<16xf32>
        %mul3A_80 = arith.constant 16 : i32
        %mul3A_81 = arith.muli %scan3A_77, %mul3A_80 : i32
        %swap3A = arith.constant 0 : i32
        %swap3A_82 = arith.constant 0 : i32
        %swap3A_83 = tpu.memref_slice %arg9[%scan3A, %swap3A, %swap3A_82] : memref<2x128x128xf32, #tpu.memory_space<vmem>> -> memref<1x128x128xf32, #tpu.memory_space<vmem>>
        %swap3A_84 = tpu.memref_squeeze %swap3A_83 : memref<1x128x128xf32, #tpu.memory_space<vmem>> -> memref<128x128xf32, #tpu.memory_space<vmem>>
        %swap3A_85 = arith.index_cast %scan3A_67 : i32 to index
        %swap3A_86 = arith.index_cast %mul3A_81 : i32 to index
        %swap3A_87 = tpu.vector_load %swap3A_84[%swap3A_85, %swap3A_86] {strides = array<i32>} : memref<128x128xf32, #tpu.memory_space<vmem>>, vector<1x16xf32>,
        %swap3A_88 = vector.shape_cast %swap3A_87 : vector<1x16xf32> to vector<16xf32>
        %swap3A_89 = vector.shape_cast %broadcast_in_dim3A_79 : vector<16xf32> to vector<1x16xf32>
        tpu.vector_store %swap3A_84[%swap3A_85, %swap3A_86], %swap3A_89 {strides = array<i32>} : memref<128x128xf32, #tpu.memory_space<vmem>>, vector<1x16xf32>,
        %scan3A_90 = arith.constant 0 : i32
        scf.yield %scan3A_90 : i32
      }
      %scan3A_75 = arith.constant 8 : i32
      %scan3A_76 = arith.constant 0 : i32
      scf.yield %scan3A_76 : i32
    }
    %scan3A_6 = arith.constant 128 : i32
    %scan3A_7 = arith.constant 0 : i32
    %scan3A_8 = arith.constant 0 : i32
    %scan3A_9 = arith.constant 0 : i32
    %scan3A_10 = arith.constant 5 : i32
    %scan3A_11 = arith.addi %scan3A_9, %scan3A_10 : i32
    %scan3A_12 = arith.constant 1 : i32
    %scan3A_13 = scf.for %scan3A_67 = %scan3A_9 to %scan3A_11 step %scan3A_12 iter_args(%scan3A_68 = %scan3A_8) -> (i32)  : i32 {
      %mul3A_69 = arith.constant 640 : i32
      %mul3A_70 = arith.muli %arg1, %mul3A_69 : i32
      %mul3A_71 = arith.constant 128 : i32
      %mul3A_72 = arith.muli %scan3A_67, %mul3A_71 : i32
      %add3A = arith.addi %mul3A_70, %mul3A_72 : i32
      "tpu.region"() ({
        %run_scoped3A = tpu.sem_alloc : memref<!tpu.dma_semaphore, #tpu.memory_space<semaphore_mem>>
        %dma_start3A_74 = arith.constant 0 : i32
        %dma_start3A_75 = arith.constant 0 : i32
        %dma_start3A_76 = tpu.memref_slice %arg9[%scan3A_7, %dma_start3A_74, %dma_start3A_75] : memref<2x128x128xf32, #tpu.memory_space<vmem>> -> memref<1x128x128xf32, #tpu.memory_space<vmem>>
        %dma_start3A_77 = tpu.memref_squeeze %dma_start3A_76 : memref<1x128x128xf32, #tpu.memory_space<vmem>> -> memref<128x128xf32, #tpu.memory_space<vmem>>
        %dma_start3A_78 = arith.constant 0 : i32
        %dma_start3A_79 = tpu.memref_slice %arg6[%add3A, %dma_start3A_78] : memref<10240x128xf32, #tpu.memory_space<vmem_shared>> -> memref<128x128xf32, #tpu.memory_space<vmem_shared>>
        %dma_start3A_80 = arith.constant 0 : i32
        %dma_start3A_81 = tpu.memref_slice %arg6[%add3A, %dma_start3A_80] : memref<10240x128xf32, #tpu.memory_space<vmem_shared>> -> memref<128x128xf32, #tpu.memory_space<vmem_shared>>
        %dma_start3A_82 = arith.constant 0 : i32
        %dma_start3A_83 = arith.constant 0 : i32
        %dma_start3A_84 = tpu.memref_slice %arg9[%scan3A_7, %dma_start3A_82, %dma_start3A_83] : memref<2x128x128xf32, #tpu.memory_space<vmem>> -> memref<1x128x128xf32, #tpu.memory_space<vmem>>
        %dma_start3A_85 = tpu.memref_squeeze %dma_start3A_84 : memref<1x128x128xf32, #tpu.memory_space<vmem>> -> memref<128x128xf32, #tpu.memory_space<vmem>>
        tpu.enqueue_dma source(%dma_start3A_85 : memref<128x128xf32, #tpu.memory_space<vmem>>) target(%dma_start3A_81 : memref<128x128xf32, #tpu.memory_space<vmem_shared>>) target_semaphore(%run_scoped3A : memref<!tpu.dma_semaphore, #tpu.memory_space<semaphore_mem>>)
        %dma_wait3A = arith.constant 0 : i32
        %dma_wait3A_86 = arith.constant 0 : i32
        %dma_wait3A_87 = tpu.memref_slice %arg9[%scan3A_7, %dma_wait3A, %dma_wait3A_86] : memref<2x128x128xf32, #tpu.memory_space<vmem>> -> memref<1x128x128xf32, #tpu.memory_space<vmem>>
        %dma_wait3A_88 = tpu.memref_squeeze %dma_wait3A_87 : memref<1x128x128xf32, #tpu.memory_space<vmem>> -> memref<128x128xf32, #tpu.memory_space<vmem>>
        %dma_wait3A_89 = arith.constant 0 : i32
        %dma_wait3A_90 = tpu.memref_slice %arg6[%add3A, %dma_wait3A_89] : memref<10240x128xf32, #tpu.memory_space<vmem_shared>> -> memref<128x128xf32, #tpu.memory_space<vmem_shared>>
        %dma_wait3A_91 = arith.constant 0 : i32
        %dma_wait3A_92 = tpu.memref_slice %arg6[%add3A, %dma_wait3A_91] : memref<10240x128xf32, #tpu.memory_space<vmem_shared>> -> memref<128x128xf32, #tpu.memory_space<vmem_shared>>
        %dma_wait3A_93 = arith.constant 0 : i32
        %dma_wait3A_94 = arith.constant 0 : i32
        %dma_wait3A_95 = tpu.memref_slice %arg9[%scan3A_7, %dma_wait3A_93, %dma_wait3A_94] : memref<2x128x128xf32, #tpu.memory_space<vmem>> -> memref<1x128x128xf32, #tpu.memory_space<vmem>>
        %dma_wait3A_96 = tpu.memref_squeeze %dma_wait3A_95 : memref<1x128x128xf32, #tpu.memory_space<vmem>> -> memref<128x128xf32, #tpu.memory_space<vmem>>
        tpu.wait_dma2 semaphore(%run_scoped3A : memref<!tpu.dma_semaphore, #tpu.memory_space<semaphore_mem>>) src(%dma_wait3A_96 : memref<128x128xf32, #tpu.memory_space<vmem>>) dst(%dma_wait3A_92 : memref<128x128xf32, #tpu.memory_space<vmem_shared>>)
        tpu.yield
      }) : () -> ()
      %scan3A_73 = arith.constant 0 : i32
      scf.yield %scan3A_73 : i32
    }
    %scan3A_14 = arith.constant 5 : i32
    %barrier3A = arith.constant 0 : index
    tpu.barrier barrier_id(%barrier3A)
    %rem3A = arith.constant 0 : i32
    %rem3A_15 = arith.constant 2 : i32
    %rem3A_16 = arith.remsi %rem3A, %rem3A_15 : i32
    "tpu.region"() ({
      %run_scoped3A = tpu.sem_alloc : memref<!tpu.dma_semaphore, #tpu.memory_space<semaphore_mem>>
      %dma_start3A_67 = arith.constant 0 : i32
      %dma_start3A_68 = arith.constant 0 : i32
      %dma_start3A_69 = tpu.memref_slice %arg7[%rem3A_16, %dma_start3A_67, %dma_start3A_68] : memref<2x16x128xi32, #tpu.memory_space<vmem>> -> memref<1x16x128xi32, #tpu.memory_space<vmem>>
      %dma_start3A_70 = tpu.memref_squeeze %dma_start3A_69 : memref<1x16x128xi32, #tpu.memory_space<vmem>> -> memref<16x128xi32, #tpu.memory_space<vmem>>
      %dma_start3A_71 = arith.constant 0 : i32
      %dma_start3A_72 = arith.constant 0 : i32
      %dma_start3A_73 = tpu.memref_slice %arg3[%arg0, %arg1, %dma_start3A_71, %dma_start3A_72] : memref<2x16x160x128xi32, #tpu.memory_space<hbm>> -> memref<1x1x16x128xi32, #tpu.memory_space<hbm>>
      %dma_start3A_74 = tpu.memref_squeeze %dma_start3A_73 : memref<1x1x16x128xi32, #tpu.memory_space<hbm>> -> memref<16x128xi32, #tpu.memory_space<hbm>>
      %dma_start3A_75 = arith.constant 0 : i32
      %dma_start3A_76 = arith.constant 0 : i32
      %dma_start3A_77 = tpu.memref_slice %arg7[%rem3A_16, %dma_start3A_75, %dma_start3A_76] : memref<2x16x128xi32, #tpu.memory_space<vmem>> -> memref<1x16x128xi32, #tpu.memory_space<vmem>>
      %dma_start3A_78 = tpu.memref_squeeze %dma_start3A_77 : memref<1x16x128xi32, #tpu.memory_space<vmem>> -> memref<16x128xi32, #tpu.memory_space<vmem>>
      %dma_start3A_79 = arith.constant 0 : i32
      %dma_start3A_80 = arith.constant 0 : i32
      %dma_start3A_81 = tpu.memref_slice %arg3[%arg0, %arg1, %dma_start3A_79, %dma_start3A_80] : memref<2x16x160x128xi32, #tpu.memory_space<hbm>> -> memref<1x1x16x128xi32, #tpu.memory_space<hbm>>
      %dma_start3A_82 = tpu.memref_squeeze %dma_start3A_81 : memref<1x1x16x128xi32, #tpu.memory_space<hbm>> -> memref<16x128xi32, #tpu.memory_space<hbm>>
      tpu.enqueue_dma source(%dma_start3A_82 : memref<16x128xi32, #tpu.memory_space<hbm>>) target(%dma_start3A_78 : memref<16x128xi32, #tpu.memory_space<vmem>>) target_semaphore(%run_scoped3A : memref<!tpu.dma_semaphore, #tpu.memory_space<semaphore_mem>>)
      %dma_wait3A = arith.constant 0 : i32
      %dma_wait3A_83 = arith.constant 0 : i32
      %dma_wait3A_84 = tpu.memref_slice %arg7[%rem3A_16, %dma_wait3A, %dma_wait3A_83] : memref<2x16x128xi32, #tpu.memory_space<vmem>> -> memref<1x16x128xi32, #tpu.memory_space<vmem>>
      %dma_wait3A_85 = tpu.memref_squeeze %dma_wait3A_84 : memref<1x16x128xi32, #tpu.memory_space<vmem>> -> memref<16x128xi32, #tpu.memory_space<vmem>>
      %dma_wait3A_86 = arith.constant 0 : i32
      %dma_wait3A_87 = arith.constant 0 : i32
      %dma_wait3A_88 = tpu.memref_slice %arg3[%arg0, %arg1, %dma_wait3A_86, %dma_wait3A_87] : memref<2x16x160x128xi32, #tpu.memory_space<hbm>> -> memref<1x1x16x128xi32, #tpu.memory_space<hbm>>
      %dma_wait3A_89 = tpu.memref_squeeze %dma_wait3A_88 : memref<1x1x16x128xi32, #tpu.memory_space<hbm>> -> memref<16x128xi32, #tpu.memory_space<hbm>>
      %dma_wait3A_90 = arith.constant 0 : i32
      %dma_wait3A_91 = arith.constant 0 : i32
      %dma_wait3A_92 = tpu.memref_slice %arg7[%rem3A_16, %dma_wait3A_90, %dma_wait3A_91] : memref<2x16x128xi32, #tpu.memory_space<vmem>> -> memref<1x16x128xi32, #tpu.memory_space<vmem>>
      %dma_wait3A_93 = tpu.memref_squeeze %dma_wait3A_92 : memref<1x16x128xi32, #tpu.memory_space<vmem>> -> memref<16x128xi32, #tpu.memory_space<vmem>>
      %dma_wait3A_94 = arith.constant 0 : i32
      %dma_wait3A_95 = arith.constant 0 : i32
      %dma_wait3A_96 = tpu.memref_slice %arg3[%arg0, %arg1, %dma_wait3A_94, %dma_wait3A_95] : memref<2x16x160x128xi32, #tpu.memory_space<hbm>> -> memref<1x1x16x128xi32, #tpu.memory_space<hbm>>
      %dma_wait3A_97 = tpu.memref_squeeze %dma_wait3A_96 : memref<1x1x16x128xi32, #tpu.memory_space<hbm>> -> memref<16x128xi32, #tpu.memory_space<hbm>>
      tpu.wait_dma2 semaphore(%run_scoped3A : memref<!tpu.dma_semaphore, #tpu.memory_space<semaphore_mem>>) src(%dma_wait3A_97 : memref<16x128xi32, #tpu.memory_space<hbm>>) dst(%dma_wait3A_93 : memref<16x128xi32, #tpu.memory_space<vmem>>)
      tpu.yield
    }) : () -> ()
    "tpu.region"() ({
      %run_scoped3A = tpu.sem_alloc : memref<!tpu.dma_semaphore, #tpu.memory_space<semaphore_mem>>
      %dma_start3A_67 = arith.constant 0 : i32
      %dma_start3A_68 = arith.constant 0 : i32
      %dma_start3A_69 = tpu.memref_slice %arg8[%rem3A_16, %dma_start3A_67, %dma_start3A_68] : memref<2x16x128xi32, #tpu.memory_space<vmem>> -> memref<1x16x128xi32, #tpu.memory_space<vmem>>
      %dma_start3A_70 = tpu.memref_squeeze %dma_start3A_69 : memref<1x16x128xi32, #tpu.memory_space<vmem>> -> memref<16x128xi32, #tpu.memory_space<vmem>>
      %dma_start3A_71 = arith.constant 0 : i32
      %dma_start3A_72 = arith.constant 0 : i32
      %dma_start3A_73 = tpu.memref_slice %arg4[%arg1, %dma_start3A_71, %dma_start3A_72] : memref<16x160x128xi32, #tpu.memory_space<hbm>> -> memref<1x16x128xi32, #tpu.memory_space<hbm>>
      %dma_start3A_74 = tpu.memref_squeeze %dma_start3A_73 : memref<1x16x128xi32, #tpu.memory_space<hbm>> -> memref<16x128xi32, #tpu.memory_space<hbm>>
      %dma_start3A_75 = arith.constant 0 : i32
      %dma_start3A_76 = arith.constant 0 : i32
      %dma_start3A_77 = tpu.memref_slice %arg8[%rem3A_16, %dma_start3A_75, %dma_start3A_76] : memref<2x16x128xi32, #tpu.memory_space<vmem>> -> memref<1x16x128xi32, #tpu.memory_space<vmem>>
      %dma_start3A_78 = tpu.memref_squeeze %dma_start3A_77 : memref<1x16x128xi32, #tpu.memory_space<vmem>> -> memref<16x128xi32, #tpu.memory_space<vmem>>
      %dma_start3A_79 = arith.constant 0 : i32
      %dma_start3A_80 = arith.constant 0 : i32
      %dma_start3A_81 = tpu.memref_slice %arg4[%arg1, %dma_start3A_79, %dma_start3A_80] : memref<16x160x128xi32, #tpu.memory_space<hbm>> -> memref<1x16x128xi32, #tpu.memory_space<hbm>>
      %dma_start3A_82 = tpu.memref_squeeze %dma_start3A_81 : memref<1x16x128xi32, #tpu.memory_space<hbm>> -> memref<16x128xi32, #tpu.memory_space<hbm>>
      tpu.enqueue_dma source(%dma_start3A_82 : memref<16x128xi32, #tpu.memory_space<hbm>>) target(%dma_start3A_78 : memref<16x128xi32, #tpu.memory_space<vmem>>) target_semaphore(%run_scoped3A : memref<!tpu.dma_semaphore, #tpu.memory_space<semaphore_mem>>)
      %dma_wait3A = arith.constant 0 : i32
      %dma_wait3A_83 = arith.constant 0 : i32
      %dma_wait3A_84 = tpu.memref_slice %arg8[%rem3A_16, %dma_wait3A, %dma_wait3A_83] : memref<2x16x128xi32, #tpu.memory_space<vmem>> -> memref<1x16x128xi32, #tpu.memory_space<vmem>>
      %dma_wait3A_85 = tpu.memref_squeeze %dma_wait3A_84 : memref<1x16x128xi32, #tpu.memory_space<vmem>> -> memref<16x128xi32, #tpu.memory_space<vmem>>
      %dma_wait3A_86 = arith.constant 0 : i32
      %dma_wait3A_87 = arith.constant 0 : i32
      %dma_wait3A_88 = tpu.memref_slice %arg4[%arg1, %dma_wait3A_86, %dma_wait3A_87] : memref<16x160x128xi32, #tpu.memory_space<hbm>> -> memref<1x16x128xi32, #tpu.memory_space<hbm>>
      %dma_wait3A_89 = tpu.memref_squeeze %dma_wait3A_88 : memref<1x16x128xi32, #tpu.memory_space<hbm>> -> memref<16x128xi32, #tpu.memory_space<hbm>>
      %dma_wait3A_90 = arith.constant 0 : i32
      %dma_wait3A_91 = arith.constant 0 : i32
      %dma_wait3A_92 = tpu.memref_slice %arg8[%rem3A_16, %dma_wait3A_90, %dma_wait3A_91] : memref<2x16x128xi32, #tpu.memory_space<vmem>> -> memref<1x16x128xi32, #tpu.memory_space<vmem>>
      %dma_wait3A_93 = tpu.memref_squeeze %dma_wait3A_92 : memref<1x16x128xi32, #tpu.memory_space<vmem>> -> memref<16x128xi32, #tpu.memory_space<vmem>>
      %dma_wait3A_94 = arith.constant 0 : i32
      %dma_wait3A_95 = arith.constant 0 : i32
      %dma_wait3A_96 = tpu.memref_slice %arg4[%arg1, %dma_wait3A_94, %dma_wait3A_95] : memref<16x160x128xi32, #tpu.memory_space<hbm>> -> memref<1x16x128xi32, #tpu.memory_space<hbm>>
      %dma_wait3A_97 = tpu.memref_squeeze %dma_wait3A_96 : memref<1x16x128xi32, #tpu.memory_space<hbm>> -> memref<16x128xi32, #tpu.memory_space<hbm>>
      tpu.wait_dma2 semaphore(%run_scoped3A : memref<!tpu.dma_semaphore, #tpu.memory_space<semaphore_mem>>) src(%dma_wait3A_97 : memref<16x128xi32, #tpu.memory_space<hbm>>) dst(%dma_wait3A_93 : memref<16x128xi32, #tpu.memory_space<vmem>>)
      tpu.yield
    }) : () -> ()
    %rem3A_17 = arith.constant 0 : i32
    %rem3A_18 = arith.constant 16 : i32
    %rem3A_19 = arith.remsi %rem3A_17, %rem3A_18 : i32
    %rem3A_20 = arith.constant 0 : i32
    %rem3A_21 = arith.constant 2 : i32
    %rem3A_22 = arith.remsi %rem3A_20, %rem3A_21 : i32
    %dma_start3A = arith.constant 0 : i32
    %dma_start3A_23 = arith.constant 0 : i32
    %dma_start3A_24 = arith.constant 0 : i32
    %dma_start3A_25 = arith.constant 0 : i32
    %dma_start3A_26 = tpu.memref_slice %arg9[%dma_start3A, %dma_start3A_24, %dma_start3A_25] : memref<2x128x128xf32, #tpu.memory_space<vmem>> -> memref<1x128x128xf32, #tpu.memory_space<vmem>>
    %dma_start3A_27 = tpu.memref_squeeze %dma_start3A_26 : memref<1x128x128xf32, #tpu.memory_space<vmem>> -> memref<128x128xf32, #tpu.memory_space<vmem>>
    %dma_start3A_28 = arith.constant 0 : i32
    %dma_start3A_29 = tpu.memref_slice %arg7[%rem3A_22, %rem3A_19, %dma_start3A_28] : memref<2x16x128xi32, #tpu.memory_space<vmem>> -> memref<1x1x128xi32, #tpu.memory_space<vmem>>
    %dma_start3A_30 = tpu.memref_squeeze %dma_start3A_29 : memref<1x1x128xi32, #tpu.memory_space<vmem>> -> memref<128xi32, #tpu.memory_space<vmem>>
    %dma_start3A_31 = arith.constant 0 : i32
    %dma_start3A_32 = arith.constant 0 : i32
    %dma_start3A_33 = tpu.memref_slice %arg2[%dma_start3A_31, %dma_start3A_32] : memref<20480x128xf32, #tpu.memory_space<hbm>> -> memref<20480x128xf32, #tpu.memory_space<hbm>>
    %dma_start3A_34 = tpu.memref_slice %arg10[%dma_start3A_23] : memref<2x!tpu.dma_semaphore, #tpu.memory_space<semaphore_mem>> -> memref<1x!tpu.dma_semaphore, #tpu.memory_space<semaphore_mem>>
    %dma_start3A_35 = tpu.memref_squeeze %dma_start3A_34 : memref<1x!tpu.dma_semaphore, #tpu.memory_space<semaphore_mem>> -> memref<!tpu.dma_semaphore, #tpu.memory_space<semaphore_mem>>
    tpu.enqueue_indirect_dma source(%dma_start3A_33 : memref<20480x128xf32, #tpu.memory_space<hbm>>) target(%dma_start3A_27 : memref<128x128xf32, #tpu.memory_space<vmem>>) offsets(%dma_start3A_30 : memref<128xi32, #tpu.memory_space<vmem>>) semaphore(%dma_start3A_35 : memref<!tpu.dma_semaphore, #tpu.memory_space<semaphore_mem>>)
    %rem3A_36 = arith.constant 1 : i32
    %rem3A_37 = arith.constant 16 : i32
    %rem3A_38 = arith.remsi %rem3A_36, %rem3A_37 : i32
    %rem3A_39 = arith.constant 0 : i32
    %rem3A_40 = arith.constant 2 : i32
    %rem3A_41 = arith.remsi %rem3A_39, %rem3A_40 : i32
    %dma_start3A_42 = arith.constant 1 : i32
    %dma_start3A_43 = arith.constant 1 : i32
    %dma_start3A_44 = arith.constant 0 : i32
    %dma_start3A_45 = arith.constant 0 : i32
    %dma_start3A_46 = tpu.memref_slice %arg9[%dma_start3A_42, %dma_start3A_44, %dma_start3A_45] : memref<2x128x128xf32, #tpu.memory_space<vmem>> -> memref<1x128x128xf32, #tpu.memory_space<vmem>>
    %dma_start3A_47 = tpu.memref_squeeze %dma_start3A_46 : memref<1x128x128xf32, #tpu.memory_space<vmem>> -> memref<128x128xf32, #tpu.memory_space<vmem>>
    %dma_start3A_48 = arith.constant 0 : i32
    %dma_start3A_49 = tpu.memref_slice %arg7[%rem3A_41, %rem3A_38, %dma_start3A_48] : memref<2x16x128xi32, #tpu.memory_space<vmem>> -> memref<1x1x128xi32, #tpu.memory_space<vmem>>
    %dma_start3A_50 = tpu.memref_squeeze %dma_start3A_49 : memref<1x1x128xi32, #tpu.memory_space<vmem>> -> memref<128xi32, #tpu.memory_space<vmem>>
    %dma_start3A_51 = arith.constant 0 : i32
    %dma_start3A_52 = arith.constant 0 : i32
    %dma_start3A_53 = tpu.memref_slice %arg2[%dma_start3A_51, %dma_start3A_52] : memref<20480x128xf32, #tpu.memory_space<hbm>> -> memref<20480x128xf32, #tpu.memory_space<hbm>>
    %dma_start3A_54 = tpu.memref_slice %arg10[%dma_start3A_43] : memref<2x!tpu.dma_semaphore, #tpu.memory_space<semaphore_mem>> -> memref<1x!tpu.dma_semaphore, #tpu.memory_space<semaphore_mem>>
    %dma_start3A_55 = tpu.memref_squeeze %dma_start3A_54 : memref<1x!tpu.dma_semaphore, #tpu.memory_space<semaphore_mem>> -> memref<!tpu.dma_semaphore, #tpu.memory_space<semaphore_mem>>
    tpu.enqueue_indirect_dma source(%dma_start3A_53 : memref<20480x128xf32, #tpu.memory_space<hbm>>) target(%dma_start3A_47 : memref<128x128xf32, #tpu.memory_space<vmem>>) offsets(%dma_start3A_50 : memref<128xi32, #tpu.memory_space<vmem>>) semaphore(%dma_start3A_55 : memref<!tpu.dma_semaphore, #tpu.memory_space<semaphore_mem>>)
    %scan3A_56 = arith.constant 0 : i32
    %scan3A_57 = arith.constant 0 : i32
    %scan3A_58 = arith.constant 160 : i32
    %scan3A_59 = arith.addi %scan3A_57, %scan3A_58 : i32
    %scan3A_60 = arith.constant 1 : i32
    %scan3A_61 = scf.for %scan3A_67 = %scan3A_57 to %scan3A_59 step %scan3A_60 iter_args(%scan3A_68 = %scan3A_56) -> (i32)  : i32 {
      %rem3A_69 = arith.constant 2 : i32
      %rem3A_70 = arith.remsi %scan3A_67, %rem3A_69 : i32
      %dma_wait3A = arith.constant 0 : i32
      %dma_wait3A_71 = arith.constant 0 : i32
      %dma_wait3A_72 = arith.constant 0 : i32
      %dma_wait3A_73 = arith.constant 0 : i32
      %dma_wait3A_74 = tpu.memref_slice %arg9[%rem3A_70, %dma_wait3A_72, %dma_wait3A_73] : memref<2x128x128xf32, #tpu.memory_space<vmem>> -> memref<1x128x128xf32, #tpu.memory_space<vmem>>
      %dma_wait3A_75 = tpu.memref_squeeze %dma_wait3A_74 : memref<1x128x128xf32, #tpu.memory_space<vmem>> -> memref<128x128xf32, #tpu.memory_space<vmem>>
      %dma_wait3A_76 = arith.constant 0 : i32
      %dma_wait3A_77 = tpu.memref_slice %arg7[%dma_wait3A, %dma_wait3A_71, %dma_wait3A_76] : memref<2x16x128xi32, #tpu.memory_space<vmem>> -> memref<1x1x128xi32, #tpu.memory_space<vmem>>
      %dma_wait3A_78 = tpu.memref_squeeze %dma_wait3A_77 : memref<1x1x128xi32, #tpu.memory_space<vmem>> -> memref<128xi32, #tpu.memory_space<vmem>>
      %dma_wait3A_79 = arith.constant 0 : i32
      %dma_wait3A_80 = arith.constant 0 : i32
      %dma_wait3A_81 = tpu.memref_slice %arg2[%dma_wait3A_79, %dma_wait3A_80] : memref<20480x128xf32, #tpu.memory_space<hbm>> -> memref<20480x128xf32, #tpu.memory_space<hbm>>
      %dma_wait3A_82 = tpu.memref_slice %arg10[%rem3A_70] : memref<2x!tpu.dma_semaphore, #tpu.memory_space<semaphore_mem>> -> memref<1x!tpu.dma_semaphore, #tpu.memory_space<semaphore_mem>>
      %dma_wait3A_83 = tpu.memref_squeeze %dma_wait3A_82 : memref<1x!tpu.dma_semaphore, #tpu.memory_space<semaphore_mem>> -> memref<!tpu.dma_semaphore, #tpu.memory_space<semaphore_mem>>
      tpu.wait_indirect_dma semaphore(%dma_wait3A_83 : memref<!tpu.dma_semaphore, #tpu.memory_space<semaphore_mem>>) src(%dma_wait3A_81 : memref<20480x128xf32, #tpu.memory_space<hbm>>) dst(%dma_wait3A_75 : memref<128x128xf32, #tpu.memory_space<vmem>>)
      %jit3A = arith.constant 16 : i32
      %div3A = arith.divsi %scan3A_67, %jit3A : i32
      %sign3A = arith.constant 0 : i32
      %sign3A_84 = arith.cmpi sgt, %scan3A_67, %sign3A : i32
      %sign3A_85 = arith.extui %sign3A_84 : i1 to i32
      %sign3A_86 = arith.constant 0 : i32
      %sign3A_87 = arith.cmpi slt, %scan3A_67, %sign3A_86 : i32
      %sign3A_88 = arith.extui %sign3A_87 : i1 to i32
      %sign3A_89 = arith.subi %sign3A_85, %sign3A_88 : i32
      %sign3A_90 = arith.constant 0 : i32
      %sign3A_91 = arith.cmpi sgt, %jit3A, %sign3A_90 : i32
      %sign3A_92 = arith.extui %sign3A_91 : i1 to i32
      %sign3A_93 = arith.constant 0 : i32
      %sign3A_94 = arith.cmpi slt, %jit3A, %sign3A_93 : i32
      %sign3A_95 = arith.extui %sign3A_94 : i1 to i32
      %sign3A_96 = arith.subi %sign3A_92, %sign3A_95 : i32
      %ne3A = arith.cmpi ne, %sign3A_89, %sign3A_96 : i32
      %rem3A_97 = arith.remsi %scan3A_67, %jit3A : i32
      %ne3A_98 = arith.constant 0 : i32
      %ne3A_99 = arith.cmpi ne, %rem3A_97, %ne3A_98 : i32
      %and3A = arith.andi %ne3A, %ne3A_99 : i1
      %sub3A = arith.constant 1 : i32
      %sub3A_100 = arith.subi %div3A, %sub3A : i32
      %select_n3A = arith.select %and3A, %sub3A_100, %div3A : i32
      %rem3A_101 = arith.constant 2 : i32
      %rem3A_102 = arith.remsi %select_n3A, %rem3A_101 : i32
      %rem3A_103 = arith.constant 16 : i32
      %rem3A_104 = arith.remsi %scan3A_67, %rem3A_103 : i32
      "tpu.region"() ({
        %run_scoped3A = tpu.sem_alloc : memref<!tpu.dma_semaphore, #tpu.memory_space<semaphore_mem>>
        %dma_start3A_109 = arith.constant 0 : i32
        %dma_start3A_110 = arith.constant 0 : i32
        %dma_start3A_111 = tpu.memref_slice %arg9[%rem3A_70, %dma_start3A_109, %dma_start3A_110] : memref<2x128x128xf32, #tpu.memory_space<vmem>> -> memref<1x128x128xf32, #tpu.memory_space<vmem>>
        %dma_start3A_112 = tpu.memref_squeeze %dma_start3A_111 : memref<1x128x128xf32, #tpu.memory_space<vmem>> -> memref<128x128xf32, #tpu.memory_space<vmem>>
        %dma_start3A_113 = arith.constant 0 : i32
        %dma_start3A_114 = tpu.memref_slice %arg8[%rem3A_102, %rem3A_104, %dma_start3A_113] : memref<2x16x128xi32, #tpu.memory_space<vmem>> -> memref<1x1x128xi32, #tpu.memory_space<vmem>>
        %dma_start3A_115 = tpu.memref_squeeze %dma_start3A_114 : memref<1x1x128xi32, #tpu.memory_space<vmem>> -> memref<128xi32, #tpu.memory_space<vmem>>
        %dma_start3A_116 = arith.constant 0 : i32
        %dma_start3A_117 = arith.constant 0 : i32
        %dma_start3A_118 = tpu.memref_slice %arg6[%dma_start3A_116, %dma_start3A_117] : memref<10240x128xf32, #tpu.memory_space<vmem_shared>> -> memref<10240x128xf32, #tpu.memory_space<vmem_shared>>
        tpu.enqueue_indirect_dma source(%dma_start3A_112 : memref<128x128xf32, #tpu.memory_space<vmem>>) target(%dma_start3A_118 : memref<10240x128xf32, #tpu.memory_space<vmem_shared>>) offsets(%dma_start3A_115 : memref<128xi32, #tpu.memory_space<vmem>>) semaphore(%run_scoped3A : memref<!tpu.dma_semaphore, #tpu.memory_space<semaphore_mem>>) {add = true}
        %dma_wait3A_119 = arith.constant 0 : i32
        %dma_wait3A_120 = arith.constant 0 : i32
        %dma_wait3A_121 = tpu.memref_slice %arg9[%rem3A_70, %dma_wait3A_119, %dma_wait3A_120] : memref<2x128x128xf32, #tpu.memory_space<vmem>> -> memref<1x128x128xf32, #tpu.memory_space<vmem>>
        %dma_wait3A_122 = tpu.memref_squeeze %dma_wait3A_121 : memref<1x128x128xf32, #tpu.memory_space<vmem>> -> memref<128x128xf32, #tpu.memory_space<vmem>>
        %dma_wait3A_123 = arith.constant 0 : i32
        %dma_wait3A_124 = tpu.memref_slice %arg8[%rem3A_102, %rem3A_104, %dma_wait3A_123] : memref<2x16x128xi32, #tpu.memory_space<vmem>> -> memref<1x1x128xi32, #tpu.memory_space<vmem>>
        %dma_wait3A_125 = tpu.memref_squeeze %dma_wait3A_124 : memref<1x1x128xi32, #tpu.memory_space<vmem>> -> memref<128xi32, #tpu.memory_space<vmem>>
        %dma_wait3A_126 = arith.constant 0 : i32
        %dma_wait3A_127 = arith.constant 0 : i32
        %dma_wait3A_128 = tpu.memref_slice %arg6[%dma_wait3A_126, %dma_wait3A_127] : memref<10240x128xf32, #tpu.memory_space<vmem_shared>> -> memref<10240x128xf32, #tpu.memory_space<vmem_shared>>
        tpu.wait_indirect_dma semaphore(%run_scoped3A : memref<!tpu.dma_semaphore, #tpu.memory_space<semaphore_mem>>) src(%dma_wait3A_122 : memref<128x128xf32, #tpu.memory_space<vmem>>) dst(%dma_wait3A_128 : memref<10240x128xf32, #tpu.memory_space<vmem_shared>>)
        tpu.yield
      }) : () -> ()
      %add3A = arith.constant 2 : i32
      %add3A_105 = arith.addi %scan3A_67, %add3A : i32
      %lt3A = arith.constant 160 : i32
      %lt3A_106 = arith.cmpi slt, %add3A_105, %lt3A : i32
      %convert_element_type3A = arith.extui %lt3A_106 : i1 to i32
      %cond3A = arith.constant 0 : i32
      %cond3A_107 = arith.cmpi ne, %convert_element_type3A, %cond3A : i32
      scf.if %cond3A_107 {
        %rem3A_109 = arith.constant 16 : i32
        %rem3A_110 = arith.remsi %add3A_105, %rem3A_109 : i32
        %eq3A = arith.constant 0 : i32
        %eq3A_111 = arith.cmpi eq, %rem3A_110, %eq3A : i32
        %convert_element_type3A_112 = arith.extui %eq3A_111 : i1 to i32
        %cond3A_113 = arith.constant 0 : i32
        %cond3A_114 = arith.cmpi ne, %convert_element_type3A_112, %cond3A_113 : i32
        scf.if %cond3A_114 {
          %jit3A_155 = arith.constant 16 : i32
          %div3A_156 = arith.divsi %add3A_105, %jit3A_155 : i32
          %sign3A_157 = arith.constant 0 : i32
          %sign3A_158 = arith.cmpi sgt, %add3A_105, %sign3A_157 : i32
          %sign3A_159 = arith.extui %sign3A_158 : i1 to i32
          %sign3A_160 = arith.constant 0 : i32
          %sign3A_161 = arith.cmpi slt, %add3A_105, %sign3A_160 : i32
          %sign3A_162 = arith.extui %sign3A_161 : i1 to i32
          %sign3A_163 = arith.subi %sign3A_159, %sign3A_162 : i32
          %sign3A_164 = arith.constant 0 : i32
          %sign3A_165 = arith.cmpi sgt, %jit3A_155, %sign3A_164 : i32
          %sign3A_166 = arith.extui %sign3A_165 : i1 to i32
          %sign3A_167 = arith.constant 0 : i32
          %sign3A_168 = arith.cmpi slt, %jit3A_155, %sign3A_167 : i32
          %sign3A_169 = arith.extui %sign3A_168 : i1 to i32
          %sign3A_170 = arith.subi %sign3A_166, %sign3A_169 : i32
          %ne3A_171 = arith.cmpi ne, %sign3A_163, %sign3A_170 : i32
          %rem3A_172 = arith.remsi %add3A_105, %jit3A_155 : i32
          %ne3A_173 = arith.constant 0 : i32
          %ne3A_174 = arith.cmpi ne, %rem3A_172, %ne3A_173 : i32
          %and3A_175 = arith.andi %ne3A_171, %ne3A_174 : i1
          %sub3A_176 = arith.constant 1 : i32
          %sub3A_177 = arith.subi %div3A_156, %sub3A_176 : i32
          %select_n3A_178 = arith.select %and3A_175, %sub3A_177, %div3A_156 : i32
          %rem3A_179 = arith.constant 2 : i32
          %rem3A_180 = arith.remsi %select_n3A_178, %rem3A_179 : i32
          %mul3A_181 = arith.constant 16 : i32
          %mul3A_182 = arith.muli %select_n3A_178, %mul3A_181 : i32
          "tpu.region"() ({
            %run_scoped3A = tpu.sem_alloc : memref<!tpu.dma_semaphore, #tpu.memory_space<semaphore_mem>>
            %dma_start3A_185 = arith.constant 0 : i32
            %dma_start3A_186 = arith.constant 0 : i32
            %dma_start3A_187 = tpu.memref_slice %arg7[%rem3A_180, %dma_start3A_185, %dma_start3A_186] : memref<2x16x128xi32, #tpu.memory_space<vmem>> -> memref<1x16x128xi32, #tpu.memory_space<vmem>>
            %dma_start3A_188 = tpu.memref_squeeze %dma_start3A_187 : memref<1x16x128xi32, #tpu.memory_space<vmem>> -> memref<16x128xi32, #tpu.memory_space<vmem>>
            %dma_start3A_189 = arith.constant 0 : i32
            %dma_start3A_190 = tpu.memref_slice %arg3[%arg0, %arg1, %mul3A_182, %dma_start3A_189] : memref<2x16x160x128xi32, #tpu.memory_space<hbm>> -> memref<1x1x16x128xi32, #tpu.memory_space<hbm>>
            %dma_start3A_191 = tpu.memref_squeeze %dma_start3A_190 : memref<1x1x16x128xi32, #tpu.memory_space<hbm>> -> memref<16x128xi32, #tpu.memory_space<hbm>>
            %dma_start3A_192 = arith.constant 0 : i32
            %dma_start3A_193 = arith.constant 0 : i32
            %dma_start3A_194 = tpu.memref_slice %arg7[%rem3A_180, %dma_start3A_192, %dma_start3A_193] : memref<2x16x128xi32, #tpu.memory_space<vmem>> -> memref<1x16x128xi32, #tpu.memory_space<vmem>>
            %dma_start3A_195 = tpu.memref_squeeze %dma_start3A_194 : memref<1x16x128xi32, #tpu.memory_space<vmem>> -> memref<16x128xi32, #tpu.memory_space<vmem>>
            %dma_start3A_196 = arith.constant 0 : i32
            %dma_start3A_197 = tpu.memref_slice %arg3[%arg0, %arg1, %mul3A_182, %dma_start3A_196] : memref<2x16x160x128xi32, #tpu.memory_space<hbm>> -> memref<1x1x16x128xi32, #tpu.memory_space<hbm>>
            %dma_start3A_198 = tpu.memref_squeeze %dma_start3A_197 : memref<1x1x16x128xi32, #tpu.memory_space<hbm>> -> memref<16x128xi32, #tpu.memory_space<hbm>>
            tpu.enqueue_dma source(%dma_start3A_198 : memref<16x128xi32, #tpu.memory_space<hbm>>) target(%dma_start3A_195 : memref<16x128xi32, #tpu.memory_space<vmem>>) target_semaphore(%run_scoped3A : memref<!tpu.dma_semaphore, #tpu.memory_space<semaphore_mem>>)
            %dma_wait3A_199 = arith.constant 0 : i32
            %dma_wait3A_200 = arith.constant 0 : i32
            %dma_wait3A_201 = tpu.memref_slice %arg7[%rem3A_180, %dma_wait3A_199, %dma_wait3A_200] : memref<2x16x128xi32, #tpu.memory_space<vmem>> -> memref<1x16x128xi32, #tpu.memory_space<vmem>>
            %dma_wait3A_202 = tpu.memref_squeeze %dma_wait3A_201 : memref<1x16x128xi32, #tpu.memory_space<vmem>> -> memref<16x128xi32, #tpu.memory_space<vmem>>
            %dma_wait3A_203 = arith.constant 0 : i32
            %dma_wait3A_204 = tpu.memref_slice %arg3[%arg0, %arg1, %mul3A_182, %dma_wait3A_203] : memref<2x16x160x128xi32, #tpu.memory_space<hbm>> -> memref<1x1x16x128xi32, #tpu.memory_space<hbm>>
            %dma_wait3A_205 = tpu.memref_squeeze %dma_wait3A_204 : memref<1x1x16x128xi32, #tpu.memory_space<hbm>> -> memref<16x128xi32, #tpu.memory_space<hbm>>
            %dma_wait3A_206 = arith.constant 0 : i32
            %dma_wait3A_207 = arith.constant 0 : i32
            %dma_wait3A_208 = tpu.memref_slice %arg7[%rem3A_180, %dma_wait3A_206, %dma_wait3A_207] : memref<2x16x128xi32, #tpu.memory_space<vmem>> -> memref<1x16x128xi32, #tpu.memory_space<vmem>>
            %dma_wait3A_209 = tpu.memref_squeeze %dma_wait3A_208 : memref<1x16x128xi32, #tpu.memory_space<vmem>> -> memref<16x128xi32, #tpu.memory_space<vmem>>
            %dma_wait3A_210 = arith.constant 0 : i32
            %dma_wait3A_211 = tpu.memref_slice %arg3[%arg0, %arg1, %mul3A_182, %dma_wait3A_210] : memref<2x16x160x128xi32, #tpu.memory_space<hbm>> -> memref<1x1x16x128xi32, #tpu.memory_space<hbm>>
            %dma_wait3A_212 = tpu.memref_squeeze %dma_wait3A_211 : memref<1x1x16x128xi32, #tpu.memory_space<hbm>> -> memref<16x128xi32, #tpu.memory_space<hbm>>
            tpu.wait_dma2 semaphore(%run_scoped3A : memref<!tpu.dma_semaphore, #tpu.memory_space<semaphore_mem>>) src(%dma_wait3A_212 : memref<16x128xi32, #tpu.memory_space<hbm>>) dst(%dma_wait3A_209 : memref<16x128xi32, #tpu.memory_space<vmem>>)
            tpu.yield
          }) : () -> ()
          %mul3A_183 = arith.constant 16 : i32
          %mul3A_184 = arith.muli %select_n3A_178, %mul3A_183 : i32
          "tpu.region"() ({
            %run_scoped3A = tpu.sem_alloc : memref<!tpu.dma_semaphore, #tpu.memory_space<semaphore_mem>>
            %dma_start3A_185 = arith.constant 0 : i32
            %dma_start3A_186 = arith.constant 0 : i32
            %dma_start3A_187 = tpu.memref_slice %arg8[%rem3A_180, %dma_start3A_185, %dma_start3A_186] : memref<2x16x128xi32, #tpu.memory_space<vmem>> -> memref<1x16x128xi32, #tpu.memory_space<vmem>>
            %dma_start3A_188 = tpu.memref_squeeze %dma_start3A_187 : memref<1x16x128xi32, #tpu.memory_space<vmem>> -> memref<16x128xi32, #tpu.memory_space<vmem>>
            %dma_start3A_189 = arith.constant 0 : i32
            %dma_start3A_190 = tpu.memref_slice %arg4[%arg1, %mul3A_184, %dma_start3A_189] : memref<16x160x128xi32, #tpu.memory_space<hbm>> -> memref<1x16x128xi32, #tpu.memory_space<hbm>>
            %dma_start3A_191 = tpu.memref_squeeze %dma_start3A_190 : memref<1x16x128xi32, #tpu.memory_space<hbm>> -> memref<16x128xi32, #tpu.memory_space<hbm>>
            %dma_start3A_192 = arith.constant 0 : i32
            %dma_start3A_193 = arith.constant 0 : i32
            %dma_start3A_194 = tpu.memref_slice %arg8[%rem3A_180, %dma_start3A_192, %dma_start3A_193] : memref<2x16x128xi32, #tpu.memory_space<vmem>> -> memref<1x16x128xi32, #tpu.memory_space<vmem>>
            %dma_start3A_195 = tpu.memref_squeeze %dma_start3A_194 : memref<1x16x128xi32, #tpu.memory_space<vmem>> -> memref<16x128xi32, #tpu.memory_space<vmem>>
            %dma_start3A_196 = arith.constant 0 : i32
            %dma_start3A_197 = tpu.memref_slice %arg4[%arg1, %mul3A_184, %dma_start3A_196] : memref<16x160x128xi32, #tpu.memory_space<hbm>> -> memref<1x16x128xi32, #tpu.memory_space<hbm>>
            %dma_start3A_198 = tpu.memref_squeeze %dma_start3A_197 : memref<1x16x128xi32, #tpu.memory_space<hbm>> -> memref<16x128xi32, #tpu.memory_space<hbm>>
            tpu.enqueue_dma source(%dma_start3A_198 : memref<16x128xi32, #tpu.memory_space<hbm>>) target(%dma_start3A_195 : memref<16x128xi32, #tpu.memory_space<vmem>>) target_semaphore(%run_scoped3A : memref<!tpu.dma_semaphore, #tpu.memory_space<semaphore_mem>>)
            %dma_wait3A_199 = arith.constant 0 : i32
            %dma_wait3A_200 = arith.constant 0 : i32
            %dma_wait3A_201 = tpu.memref_slice %arg8[%rem3A_180, %dma_wait3A_199, %dma_wait3A_200] : memref<2x16x128xi32, #tpu.memory_space<vmem>> -> memref<1x16x128xi32, #tpu.memory_space<vmem>>
            %dma_wait3A_202 = tpu.memref_squeeze %dma_wait3A_201 : memref<1x16x128xi32, #tpu.memory_space<vmem>> -> memref<16x128xi32, #tpu.memory_space<vmem>>
            %dma_wait3A_203 = arith.constant 0 : i32
            %dma_wait3A_204 = tpu.memref_slice %arg4[%arg1, %mul3A_184, %dma_wait3A_203] : memref<16x160x128xi32, #tpu.memory_space<hbm>> -> memref<1x16x128xi32, #tpu.memory_space<hbm>>
            %dma_wait3A_205 = tpu.memref_squeeze %dma_wait3A_204 : memref<1x16x128xi32, #tpu.memory_space<hbm>> -> memref<16x128xi32, #tpu.memory_space<hbm>>
            %dma_wait3A_206 = arith.constant 0 : i32
            %dma_wait3A_207 = arith.constant 0 : i32
            %dma_wait3A_208 = tpu.memref_slice %arg8[%rem3A_180, %dma_wait3A_206, %dma_wait3A_207] : memref<2x16x128xi32, #tpu.memory_space<vmem>> -> memref<1x16x128xi32, #tpu.memory_space<vmem>>
            %dma_wait3A_209 = tpu.memref_squeeze %dma_wait3A_208 : memref<1x16x128xi32, #tpu.memory_space<vmem>> -> memref<16x128xi32, #tpu.memory_space<vmem>>
            %dma_wait3A_210 = arith.constant 0 : i32
            %dma_wait3A_211 = tpu.memref_slice %arg4[%arg1, %mul3A_184, %dma_wait3A_210] : memref<16x160x128xi32, #tpu.memory_space<hbm>> -> memref<1x16x128xi32, #tpu.memory_space<hbm>>
            %dma_wait3A_212 = tpu.memref_squeeze %dma_wait3A_211 : memref<1x16x128xi32, #tpu.memory_space<hbm>> -> memref<16x128xi32, #tpu.memory_space<hbm>>
            tpu.wait_dma2 semaphore(%run_scoped3A : memref<!tpu.dma_semaphore, #tpu.memory_space<semaphore_mem>>) src(%dma_wait3A_212 : memref<16x128xi32, #tpu.memory_space<hbm>>) dst(%dma_wait3A_209 : memref<16x128xi32, #tpu.memory_space<vmem>>)
            tpu.yield
          }) : () -> ()
        } else {
        }
        %jit3A_115 = arith.constant 16 : i32
        %div3A_116 = arith.divsi %add3A_105, %jit3A_115 : i32
        %sign3A_117 = arith.constant 0 : i32
        %sign3A_118 = arith.cmpi sgt, %add3A_105, %sign3A_117 : i32
        %sign3A_119 = arith.extui %sign3A_118 : i1 to i32
        %sign3A_120 = arith.constant 0 : i32
        %sign3A_121 = arith.cmpi slt, %add3A_105, %sign3A_120 : i32
        %sign3A_122 = arith.extui %sign3A_121 : i1 to i32
        %sign3A_123 = arith.subi %sign3A_119, %sign3A_122 : i32
        %sign3A_124 = arith.constant 0 : i32
        %sign3A_125 = arith.cmpi sgt, %jit3A_115, %sign3A_124 : i32
        %sign3A_126 = arith.extui %sign3A_125 : i1 to i32
        %sign3A_127 = arith.constant 0 : i32
        %sign3A_128 = arith.cmpi slt, %jit3A_115, %sign3A_127 : i32
        %sign3A_129 = arith.extui %sign3A_128 : i1 to i32
        %sign3A_130 = arith.subi %sign3A_126, %sign3A_129 : i32
        %ne3A_131 = arith.cmpi ne, %sign3A_123, %sign3A_130 : i32
        %rem3A_132 = arith.remsi %add3A_105, %jit3A_115 : i32
        %ne3A_133 = arith.constant 0 : i32
        %ne3A_134 = arith.cmpi ne, %rem3A_132, %ne3A_133 : i32
        %and3A_135 = arith.andi %ne3A_131, %ne3A_134 : i1
        %sub3A_136 = arith.constant 1 : i32
        %sub3A_137 = arith.subi %div3A_116, %sub3A_136 : i32
        %select_n3A_138 = arith.select %and3A_135, %sub3A_137, %div3A_116 : i32
        %rem3A_139 = arith.constant 16 : i32
        %rem3A_140 = arith.remsi %add3A_105, %rem3A_139 : i32
        %rem3A_141 = arith.constant 2 : i32
        %rem3A_142 = arith.remsi %select_n3A_138, %rem3A_141 : i32
        %dma_start3A_143 = arith.constant 0 : i32
        %dma_start3A_144 = arith.constant 0 : i32
        %dma_start3A_145 = tpu.memref_slice %arg9[%rem3A_70, %dma_start3A_143, %dma_start3A_144] : memref<2x128x128xf32, #tpu.memory_space<vmem>> -> memref<1x128x128xf32, #tpu.memory_space<vmem>>
        %dma_start3A_146 = tpu.memref_squeeze %dma_start3A_145 : memref<1x128x128xf32, #tpu.memory_space<vmem>> -> memref<128x128xf32, #tpu.memory_space<vmem>>
        %dma_start3A_147 = arith.constant 0 : i32
        %dma_start3A_148 = tpu.memref_slice %arg7[%rem3A_142, %rem3A_140, %dma_start3A_147] : memref<2x16x128xi32, #tpu.memory_space<vmem>> -> memref<1x1x128xi32, #tpu.memory_space<vmem>>
        %dma_start3A_149 = tpu.memref_squeeze %dma_start3A_148 : memref<1x1x128xi32, #tpu.memory_space<vmem>> -> memref<128xi32, #tpu.memory_space<vmem>>
        %dma_start3A_150 = arith.constant 0 : i32
        %dma_start3A_151 = arith.constant 0 : i32
        %dma_start3A_152 = tpu.memref_slice %arg2[%dma_start3A_150, %dma_start3A_151] : memref<20480x128xf32, #tpu.memory_space<hbm>> -> memref<20480x128xf32, #tpu.memory_space<hbm>>
        %dma_start3A_153 = tpu.memref_slice %arg10[%rem3A_70] : memref<2x!tpu.dma_semaphore, #tpu.memory_space<semaphore_mem>> -> memref<1x!tpu.dma_semaphore, #tpu.memory_space<semaphore_mem>>
        %dma_start3A_154 = tpu.memref_squeeze %dma_start3A_153 : memref<1x!tpu.dma_semaphore, #tpu.memory_space<semaphore_mem>> -> memref<!tpu.dma_semaphore, #tpu.memory_space<semaphore_mem>>
        tpu.enqueue_indirect_dma source(%dma_start3A_152 : memref<20480x128xf32, #tpu.memory_space<hbm>>) target(%dma_start3A_146 : memref<128x128xf32, #tpu.memory_space<vmem>>) offsets(%dma_start3A_149 : memref<128xi32, #tpu.memory_space<vmem>>) semaphore(%dma_start3A_154 : memref<!tpu.dma_semaphore, #tpu.memory_space<semaphore_mem>>)
      } else {
      }
      %scan3A_108 = arith.constant 0 : i32
      scf.yield %scan3A_108 : i32
    }
    %scan3A_62 = arith.constant 160 : i32
    %barrier3A_63 = arith.constant 0 : index
    tpu.barrier barrier_id(%barrier3A_63)
    %mul3A = arith.constant 640 : i32
    %mul3A_64 = arith.muli %arg1, %mul3A : i32
    %mul3A_65 = arith.constant 640 : i32
    %mul3A_66 = arith.muli %arg1, %mul3A_65 : i32
    "tpu.region"() ({
      %run_scoped3A = tpu.sem_alloc : memref<!tpu.dma_semaphore, #tpu.memory_space<semaphore_mem>>
      %dma_start3A_67 = arith.constant 0 : i32
      %dma_start3A_68 = tpu.memref_slice %arg5[%arg0, %mul3A_66, %dma_start3A_67] : memref<2x10240x128xf32, #tpu.memory_space<hbm>> -> memref<1x640x128xf32, #tpu.memory_space<hbm>>
      %dma_start3A_69 = tpu.memref_squeeze %dma_start3A_68 : memref<1x640x128xf32, #tpu.memory_space<hbm>> -> memref<640x128xf32, #tpu.memory_space<hbm>>
      %dma_start3A_70 = arith.constant 0 : i32
      %dma_start3A_71 = tpu.memref_slice %arg6[%mul3A_64, %dma_start3A_70] : memref<10240x128xf32, #tpu.memory_space<vmem_shared>> -> memref<640x128xf32, #tpu.memory_space<vmem_shared>>
      tpu.enqueue_dma source(%dma_start3A_71 : memref<640x128xf32, #tpu.memory_space<vmem_shared>>) target(%dma_start3A_69 : memref<640x128xf32, #tpu.memory_space<hbm>>) target_semaphore(%run_scoped3A : memref<!tpu.dma_semaphore, #tpu.memory_space<semaphore_mem>>)
      %dma_wait3A = arith.constant 0 : i32
      %dma_wait3A_72 = tpu.memref_slice %arg5[%arg0, %mul3A_66, %dma_wait3A] : memref<2x10240x128xf32, #tpu.memory_space<hbm>> -> memref<1x640x128xf32, #tpu.memory_space<hbm>>
      %dma_wait3A_73 = tpu.memref_squeeze %dma_wait3A_72 : memref<1x640x128xf32, #tpu.memory_space<hbm>> -> memref<640x128xf32, #tpu.memory_space<hbm>>
      %dma_wait3A_74 = arith.constant 0 : i32
      %dma_wait3A_75 = tpu.memref_slice %arg6[%mul3A_64, %dma_wait3A_74] : memref<10240x128xf32, #tpu.memory_space<vmem_shared>> -> memref<640x128xf32, #tpu.memory_space<vmem_shared>>
      tpu.wait_dma2 semaphore(%run_scoped3A : memref<!tpu.dma_semaphore, #tpu.memory_space<semaphore_mem>>) src(%dma_wait3A_75 : memref<640x128xf32, #tpu.memory_space<vmem_shared>>) dst(%dma_wait3A_73 : memref<640x128xf32, #tpu.memory_space<hbm>>)
      tpu.yield
    }) : () -> ()
    return
  }
}

module attributes {stable_mosaic.version = 14 : i64} {
  func.func @_mm1_body(%arg0: i32, %arg1: memref<512x128xf32, #tpu.memory_space<vmem>>, %arg2: memref<128x256xf32, #tpu.memory_space<vmem>>, %arg3: memref<512x256xf32, #tpu.memory_space<vmem>>) attributes {dimension_semantics = [#tpu.dimension_semantics<arbitrary>], iteration_bounds = array<i64: 20>, scalar_prefetch = 0 : i64, scratch_operands = 0 : i64, tpu.core_type = #tpu.core_type<tc>, window_params = [{transform_indices = @transform_0, window_bounds = array<i64: 512, 128>}, {pipeline_mode = #tpu.pipeline_mode<synchronous>, transform_indices = @transform_1, window_bounds = array<i64: 128, 256>}, {transform_indices = @transform_2, window_bounds = array<i64: 512, 256>}]} {
    %get3A = arith.constant 0 : index
    %get3A_0 = arith.constant 0 : index
    %get3A_1 = vector.load %arg1[%get3A, %get3A_0] : memref<512x128xf32, #tpu.memory_space<vmem>>, vector<512x128xf32>
    %get3A_2 = arith.constant 0 : index
    %get3A_3 = arith.constant 0 : index
    %get3A_4 = vector.load %arg2[%get3A_2, %get3A_3] : memref<128x256xf32, #tpu.memory_space<vmem>>, vector<128x256xf32>
    %dot_general3A = arith.constant dense<0.000000e+00> : vector<512x256xf32>
    %dot_general3A_5 = tpu.matmul %get3A_1, %get3A_4, %dot_general3A {dimension_numbers = #tpu.dot_dimension_numbers<[1], [0], [0], [1], [0, 0, 1, 1], [], []>, transpose_lhs_hint = false} : vector<512x128xf32>, vector<128x256xf32>, vector<512x256xf32> -> vector<512x256xf32>
    %swap3A = arith.constant 0 : index
    %swap3A_6 = arith.constant 0 : index
    %swap3A_7 = vector.load %arg3[%swap3A, %swap3A_6] : memref<512x256xf32, #tpu.memory_space<vmem>>, vector<512x256xf32>
    tpu.vector_store %arg3[%swap3A, %swap3A_6], %dot_general3A_5 {strides = array<i32>} : memref<512x256xf32, #tpu.memory_space<vmem>>, vector<512x256xf32>,
    return
  }
  func.func @transform_0(%arg0: i32) -> (i32, i32) {
    %c0_i32 = arith.constant 0 : i32
    %c0_i32_0 = arith.constant 0 : i32
    return %arg0, %c0_i32 : i32, i32
  }
  func.func @transform_1(%arg0: i32) -> (i32, i32) {
    %c0_i32 = arith.constant 0 : i32
    %c0_i32_0 = arith.constant 0 : i32
    %c0_i32_1 = arith.constant 0 : i32
    return %c0_i32, %c0_i32_0 : i32, i32
  }
  func.func @transform_2(%arg0: i32) -> (i32, i32) {
    %c0_i32 = arith.constant 0 : i32
    %c0_i32_0 = arith.constant 0 : i32
    return %arg0, %c0_i32 : i32, i32
  }
}

module attributes {stable_mosaic.version = 14 : i64} {
  func.func @_scale1_body(%arg0: i32, %arg1: memref<512x256xf32, #tpu.memory_space<vmem>>, %arg2: memref<2x512x128xf32, #tpu.memory_space<vmem>>, %arg3: memref<2x512x128xf32, #tpu.memory_space<vmem>>) attributes {dimension_semantics = [#tpu.dimension_semantics<arbitrary>], iteration_bounds = array<i64: 20>, scalar_prefetch = 0 : i64, scratch_operands = 0 : i64, tpu.core_type = #tpu.core_type<tc>, window_params = [{transform_indices = @transform_0, window_bounds = array<i64: 512, 256>}, {transform_indices = @transform_1, window_bounds = array<i64: 2, 512, 128>}, {transform_indices = @transform_2, window_bounds = array<i64: 2, 512, 128>}]} {
    %get3A = arith.constant 0 : index
    %get3A_0 = arith.constant 0 : index
    %get3A_1 = arith.constant 0 : index
    %get3A_2 = vector.load %arg2[%get3A, %get3A_0, %get3A_1] : memref<2x512x128xf32, #tpu.memory_space<vmem>>, vector<1x512x1xf32>
    %get3A_3 = vector.shape_cast %get3A_2 : vector<1x512x1xf32> to vector<512x1xf32>
    %get3A_4 = arith.constant 1 : index
    %get3A_5 = arith.constant 0 : index
    %get3A_6 = arith.constant 0 : index
    %get3A_7 = vector.load %arg2[%get3A_4, %get3A_5, %get3A_6] : memref<2x512x128xf32, #tpu.memory_space<vmem>>, vector<1x512x1xf32>
    %get3A_8 = vector.shape_cast %get3A_7 : vector<1x512x1xf32> to vector<512x1xf32>
    %add3A = arith.addf %get3A_3, %get3A_8 : vector<512x1xf32>
    %add3A_9 = arith.constant 1.000000e+00 : f32
    %add3A_10 = vector.broadcast %add3A_9 : f32 to vector<512x1xf32>
    %add3A_11 = arith.addf %add3A, %add3A_10 : vector<512x1xf32>
    %rsqrt3A = math.rsqrt %add3A_11 : vector<512x1xf32>
    %get3A_12 = arith.constant 0 : index
    %get3A_13 = arith.constant 0 : index
    %get3A_14 = vector.load %arg1[%get3A_12, %get3A_13] : memref<512x256xf32, #tpu.memory_space<vmem>>, vector<512x256xf32>
    %mul3A = vector.broadcast %rsqrt3A : vector<512x1xf32> to vector<512x256xf32>
    %mul3A_15 = arith.mulf %mul3A, %get3A_14 : vector<512x256xf32>
    %slice3A = vector.extract_strided_slice %mul3A_15 {offsets = [0, 0], sizes = [512, 128], strides = [1, 1]} : vector<512x256xf32> to vector<512x128xf32>
    %swap3A = arith.constant 0 : index
    %swap3A_16 = arith.constant 0 : index
    %swap3A_17 = arith.constant 0 : index
    %swap3A_18 = vector.load %arg3[%swap3A, %swap3A_16, %swap3A_17] : memref<2x512x128xf32, #tpu.memory_space<vmem>>, vector<1x512x128xf32>
    %swap3A_19 = vector.shape_cast %swap3A_18 : vector<1x512x128xf32> to vector<512x128xf32>
    %swap3A_20 = vector.shape_cast %slice3A : vector<512x128xf32> to vector<1x512x128xf32>
    tpu.vector_store %arg3[%swap3A, %swap3A_16, %swap3A_17], %swap3A_20 {strides = array<i32>} : memref<2x512x128xf32, #tpu.memory_space<vmem>>, vector<1x512x128xf32>,
    %slice3A_21 = vector.extract_strided_slice %mul3A_15 {offsets = [0, 128], sizes = [512, 128], strides = [1, 1]} : vector<512x256xf32> to vector<512x128xf32>
    %swap3A_22 = arith.constant 1 : index
    %swap3A_23 = arith.constant 0 : index
    %swap3A_24 = arith.constant 0 : index
    %swap3A_25 = vector.load %arg3[%swap3A_22, %swap3A_23, %swap3A_24] : memref<2x512x128xf32, #tpu.memory_space<vmem>>, vector<1x512x128xf32>
    %swap3A_26 = vector.shape_cast %swap3A_25 : vector<1x512x128xf32> to vector<512x128xf32>
    %swap3A_27 = vector.shape_cast %slice3A_21 : vector<512x128xf32> to vector<1x512x128xf32>
    tpu.vector_store %arg3[%swap3A_22, %swap3A_23, %swap3A_24], %swap3A_27 {strides = array<i32>} : memref<2x512x128xf32, #tpu.memory_space<vmem>>, vector<1x512x128xf32>,
    return
  }
  func.func @transform_0(%arg0: i32) -> (i32, i32) {
    %c0_i32 = arith.constant 0 : i32
    %c0_i32_0 = arith.constant 0 : i32
    return %arg0, %c0_i32 : i32, i32
  }
  func.func @transform_1(%arg0: i32) -> (i32, i32, i32) {
    %c0_i32 = arith.constant 0 : i32
    %c0_i32_0 = arith.constant 0 : i32
    %c0_i32_1 = arith.constant 0 : i32
    return %c0_i32, %arg0, %c0_i32_0 : i32, i32, i32
  }
  func.func @transform_2(%arg0: i32) -> (i32, i32, i32) {
    %c0_i32 = arith.constant 0 : i32
    %c0_i32_0 = arith.constant 0 : i32
    %c0_i32_1 = arith.constant 0 : i32
    return %c0_i32, %arg0, %c0_i32_0 : i32, i32, i32
  }
}

module attributes {stable_mosaic.version = 14 : i64} {
  func.func @_mid_body(%arg0: i32, %arg1: memref<2x512x128xf32, #tpu.memory_space<vmem>>, %arg2: memref<2x512x128xf32, #tpu.memory_space<vmem>>, %arg3: memref<2x512x128xf32, #tpu.memory_space<vmem>>, %arg4: memref<1x256xf32, #tpu.memory_space<vmem>>, %arg5: memref<256x128xf32, #tpu.memory_space<vmem>>, %arg6: memref<512x128xf32, #tpu.memory_space<vmem>>) attributes {dimension_semantics = [#tpu.dimension_semantics<arbitrary>], iteration_bounds = array<i64: 20>, scalar_prefetch = 0 : i64, scratch_operands = 0 : i64, tpu.core_type = #tpu.core_type<tc>, window_params = [{transform_indices = @transform_0, window_bounds = array<i64: 2, 512, 128>}, {transform_indices = @transform_1, window_bounds = array<i64: 2, 512, 128>}, {transform_indices = @transform_2, window_bounds = array<i64: 2, 512, 128>}, {pipeline_mode = #tpu.pipeline_mode<synchronous>, transform_indices = @transform_3, window_bounds = array<i64: 1, 256>}, {pipeline_mode = #tpu.pipeline_mode<synchronous>, transform_indices = @transform_4, window_bounds = array<i64: 256, 128>}, {transform_indices = @transform_5, window_bounds = array<i64: 512, 128>}]} {
    %get3A = arith.constant 0 : index
    %get3A_0 = arith.constant 0 : index
    %get3A_1 = arith.constant 0 : index
    %get3A_2 = vector.load %arg3[%get3A, %get3A_0, %get3A_1] : memref<2x512x128xf32, #tpu.memory_space<vmem>>, vector<1x512x1xf32>
    %get3A_3 = vector.shape_cast %get3A_2 : vector<1x512x1xf32> to vector<512x1xf32>
    %get3A_4 = arith.constant 1 : index
    %get3A_5 = arith.constant 0 : index
    %get3A_6 = arith.constant 0 : index
    %get3A_7 = vector.load %arg3[%get3A_4, %get3A_5, %get3A_6] : memref<2x512x128xf32, #tpu.memory_space<vmem>>, vector<1x512x1xf32>
    %get3A_8 = vector.shape_cast %get3A_7 : vector<1x512x1xf32> to vector<512x1xf32>
    %add3A = arith.addf %get3A_3, %get3A_8 : vector<512x1xf32>
    %add3A_9 = arith.constant 1.000000e+00 : f32
    %add3A_10 = vector.broadcast %add3A_9 : f32 to vector<512x1xf32>
    %add3A_11 = arith.addf %add3A, %add3A_10 : vector<512x1xf32>
    %rsqrt3A = math.rsqrt %add3A_11 : vector<512x1xf32>
    %get3A_12 = arith.constant 0 : index
    %get3A_13 = arith.constant 0 : index
    %get3A_14 = arith.constant 0 : index
    %get3A_15 = vector.load %arg1[%get3A_12, %get3A_13, %get3A_14] : memref<2x512x128xf32, #tpu.memory_space<vmem>>, vector<1x512x128xf32>
    %get3A_16 = vector.shape_cast %get3A_15 : vector<1x512x128xf32> to vector<512x128xf32>
    %get3A_17 = arith.constant 0 : index
    %get3A_18 = arith.constant 0 : index
    %get3A_19 = arith.constant 0 : index
    %get3A_20 = vector.load %arg2[%get3A_17, %get3A_18, %get3A_19] : memref<2x512x128xf32, #tpu.memory_space<vmem>>, vector<1x512x128xf32>
    %get3A_21 = vector.shape_cast %get3A_20 : vector<1x512x128xf32> to vector<512x128xf32>
    %add3A_22 = arith.addf %get3A_16, %get3A_21 : vector<512x128xf32>
    %mul3A = vector.broadcast %rsqrt3A : vector<512x1xf32> to vector<512x128xf32>
    %mul3A_23 = arith.mulf %mul3A, %add3A_22 : vector<512x128xf32>
    %get3A_24 = arith.constant 1 : index
    %get3A_25 = arith.constant 0 : index
    %get3A_26 = arith.constant 0 : index
    %get3A_27 = vector.load %arg1[%get3A_24, %get3A_25, %get3A_26] : memref<2x512x128xf32, #tpu.memory_space<vmem>>, vector<1x512x128xf32>
    %get3A_28 = vector.shape_cast %get3A_27 : vector<1x512x128xf32> to vector<512x128xf32>
    %get3A_29 = arith.constant 1 : index
    %get3A_30 = arith.constant 0 : index
    %get3A_31 = arith.constant 0 : index
    %get3A_32 = vector.load %arg2[%get3A_29, %get3A_30, %get3A_31] : memref<2x512x128xf32, #tpu.memory_space<vmem>>, vector<1x512x128xf32>
    %get3A_33 = vector.shape_cast %get3A_32 : vector<1x512x128xf32> to vector<512x128xf32>
    %add3A_34 = arith.addf %get3A_28, %get3A_33 : vector<512x128xf32>
    %mul3A_35 = vector.broadcast %rsqrt3A : vector<512x1xf32> to vector<512x128xf32>
    %mul3A_36 = arith.mulf %mul3A_35, %add3A_34 : vector<512x128xf32>
    %concatenate3A = tpu.concatenate %mul3A_23, %mul3A_36 in 1 : vector<512x128xf32>, vector<512x128xf32> -> vector<512x256xf32>
    %get3A_37 = arith.constant 0 : index
    %get3A_38 = arith.constant 0 : index
    %get3A_39 = vector.load %arg4[%get3A_37, %get3A_38] : memref<1x256xf32, #tpu.memory_space<vmem>>, vector<1x256xf32>
    %get3A_40 = vector.shape_cast %get3A_39 : vector<1x256xf32> to vector<256xf32>
    %broadcast_in_dim3A = vector.shape_cast %get3A_40 : vector<256xf32> to vector<1x256xf32>
    %add3A_41 = vector.broadcast %broadcast_in_dim3A : vector<1x256xf32> to vector<512x256xf32>
    %add3A_42 = arith.addf %concatenate3A, %add3A_41 : vector<512x256xf32>
    %max3A = arith.constant 0.000000e+00 : f32
    %max3A_43 = vector.broadcast %max3A : f32 to vector<512x256xf32>
    %max3A_44 = arith.maximumf %add3A_42, %max3A_43 : vector<512x256xf32>
    %get3A_45 = arith.constant 0 : index
    %get3A_46 = arith.constant 0 : index
    %get3A_47 = vector.load %arg5[%get3A_45, %get3A_46] : memref<256x128xf32, #tpu.memory_space<vmem>>, vector<256x128xf32>
    %dot_general3A = arith.constant dense<0.000000e+00> : vector<512x128xf32>
    %dot_general3A_48 = tpu.matmul %max3A_44, %get3A_47, %dot_general3A {dimension_numbers = #tpu.dot_dimension_numbers<[1], [0], [0], [1], [0, 0, 1, 1], [], []>, transpose_lhs_hint = false} : vector<512x256xf32>, vector<256x128xf32>, vector<512x128xf32> -> vector<512x128xf32>
    %mul3A_49 = vector.broadcast %rsqrt3A : vector<512x1xf32> to vector<512x128xf32>
    %mul3A_50 = arith.mulf %mul3A_49, %dot_general3A_48 : vector<512x128xf32>
    %swap3A = arith.constant 0 : index
    %swap3A_51 = arith.constant 0 : index
    %swap3A_52 = vector.load %arg6[%swap3A, %swap3A_51] : memref<512x128xf32, #tpu.memory_space<vmem>>, vector<512x128xf32>
    tpu.vector_store %arg6[%swap3A, %swap3A_51], %mul3A_50 {strides = array<i32>} : memref<512x128xf32, #tpu.memory_space<vmem>>, vector<512x128xf32>,
    return
  }
  func.func @transform_0(%arg0: i32) -> (i32, i32, i32) {
    %c0_i32 = arith.constant 0 : i32
    %c0_i32_0 = arith.constant 0 : i32
    %c0_i32_1 = arith.constant 0 : i32
    return %c0_i32, %arg0, %c0_i32_0 : i32, i32, i32
  }
  func.func @transform_1(%arg0: i32) -> (i32, i32, i32) {
    %c0_i32 = arith.constant 0 : i32
    %c0_i32_0 = arith.constant 0 : i32
    %c0_i32_1 = arith.constant 0 : i32
    return %c0_i32, %arg0, %c0_i32_0 : i32, i32, i32
  }
  func.func @transform_2(%arg0: i32) -> (i32, i32, i32) {
    %c0_i32 = arith.constant 0 : i32
    %c0_i32_0 = arith.constant 0 : i32
    %c0_i32_1 = arith.constant 0 : i32
    return %c0_i32, %arg0, %c0_i32_0 : i32, i32, i32
  }
  func.func @transform_3(%arg0: i32) -> (i32, i32) {
    %c0_i32 = arith.constant 0 : i32
    %c0_i32_0 = arith.constant 0 : i32
    %c0_i32_1 = arith.constant 0 : i32
    return %c0_i32, %c0_i32_0 : i32, i32
  }
  func.func @transform_4(%arg0: i32) -> (i32, i32) {
    %c0_i32 = arith.constant 0 : i32
    %c0_i32_0 = arith.constant 0 : i32
    %c0_i32_1 = arith.constant 0 : i32
    return %c0_i32, %c0_i32_0 : i32, i32
  }
  func.func @transform_5(%arg0: i32) -> (i32, i32) {
    %c0_i32 = arith.constant 0 : i32
    %c0_i32_0 = arith.constant 0 : i32
    return %arg0, %c0_i32 : i32, i32
  }
}

module attributes {stable_mosaic.version = 14 : i64} {
  func.func @_final_body(%arg0: i32, %arg1: memref<2x400x128xf32, #tpu.memory_space<vmem>>, %arg2: memref<400x128xf32, #tpu.memory_space<vmem>>, %arg3: memref<2x400x128xf32, #tpu.memory_space<vmem>>, %arg4: memref<1x128xf32, #tpu.memory_space<vmem>>, %arg5: memref<400x128xf32, #tpu.memory_space<vmem>>) attributes {dimension_semantics = [#tpu.dimension_semantics<arbitrary>], iteration_bounds = array<i64: 25>, scalar_prefetch = 0 : i64, scratch_operands = 0 : i64, tpu.core_type = #tpu.core_type<tc>, window_params = [{transform_indices = @transform_0, window_bounds = array<i64: 2, 400, 128>}, {transform_indices = @transform_1, window_bounds = array<i64: 400, 128>}, {transform_indices = @transform_2, window_bounds = array<i64: 2, 400, 128>}, {pipeline_mode = #tpu.pipeline_mode<synchronous>, transform_indices = @transform_3, window_bounds = array<i64: 1, 128>}, {transform_indices = @transform_4, window_bounds = array<i64: 400, 128>}]} {
    %get3A = arith.constant 0 : index
    %get3A_0 = arith.constant 0 : index
    %get3A_1 = arith.constant 0 : index
    %get3A_2 = vector.load %arg3[%get3A, %get3A_0, %get3A_1] : memref<2x400x128xf32, #tpu.memory_space<vmem>>, vector<1x400x1xf32>
    %get3A_3 = vector.shape_cast %get3A_2 : vector<1x400x1xf32> to vector<400x1xf32>
    %get3A_4 = arith.constant 1 : index
    %get3A_5 = arith.constant 0 : index
    %get3A_6 = arith.constant 0 : index
    %get3A_7 = vector.load %arg3[%get3A_4, %get3A_5, %get3A_6] : memref<2x400x128xf32, #tpu.memory_space<vmem>>, vector<1x400x1xf32>
    %get3A_8 = vector.shape_cast %get3A_7 : vector<1x400x1xf32> to vector<400x1xf32>
    %add3A = arith.addf %get3A_3, %get3A_8 : vector<400x1xf32>
    %add3A_9 = arith.constant 1.000000e+00 : f32
    %add3A_10 = vector.broadcast %add3A_9 : f32 to vector<400x1xf32>
    %add3A_11 = arith.addf %add3A, %add3A_10 : vector<400x1xf32>
    %rsqrt3A = math.rsqrt %add3A_11 : vector<400x1xf32>
    %get3A_12 = arith.constant 0 : index
    %get3A_13 = arith.constant 0 : index
    %get3A_14 = arith.constant 0 : index
    %get3A_15 = vector.load %arg1[%get3A_12, %get3A_13, %get3A_14] : memref<2x400x128xf32, #tpu.memory_space<vmem>>, vector<1x400x128xf32>
    %get3A_16 = vector.shape_cast %get3A_15 : vector<1x400x128xf32> to vector<400x128xf32>
    %get3A_17 = arith.constant 1 : index
    %get3A_18 = arith.constant 0 : index
    %get3A_19 = arith.constant 0 : index
    %get3A_20 = vector.load %arg1[%get3A_17, %get3A_18, %get3A_19] : memref<2x400x128xf32, #tpu.memory_space<vmem>>, vector<1x400x128xf32>
    %get3A_21 = vector.shape_cast %get3A_20 : vector<1x400x128xf32> to vector<400x128xf32>
    %add3A_22 = arith.addf %get3A_16, %get3A_21 : vector<400x128xf32>
    %get3A_23 = arith.constant 0 : index
    %get3A_24 = arith.constant 0 : index
    %get3A_25 = vector.load %arg2[%get3A_23, %get3A_24] : memref<400x128xf32, #tpu.memory_space<vmem>>, vector<400x128xf32>
    %add3A_26 = arith.addf %add3A_22, %get3A_25 : vector<400x128xf32>
    %mul3A = vector.broadcast %rsqrt3A : vector<400x1xf32> to vector<400x128xf32>
    %mul3A_27 = arith.mulf %mul3A, %add3A_26 : vector<400x128xf32>
    %get3A_28 = arith.constant 0 : index
    %get3A_29 = arith.constant 0 : index
    %get3A_30 = vector.load %arg4[%get3A_28, %get3A_29] : memref<1x128xf32, #tpu.memory_space<vmem>>, vector<1x128xf32>
    %get3A_31 = vector.shape_cast %get3A_30 : vector<1x128xf32> to vector<128xf32>
    %broadcast_in_dim3A = vector.shape_cast %get3A_31 : vector<128xf32> to vector<1x128xf32>
    %add3A_32 = vector.broadcast %broadcast_in_dim3A : vector<1x128xf32> to vector<400x128xf32>
    %add3A_33 = arith.addf %mul3A_27, %add3A_32 : vector<400x128xf32>
    %swap3A = arith.constant 0 : index
    %swap3A_34 = arith.constant 0 : index
    %swap3A_35 = vector.load %arg5[%swap3A, %swap3A_34] : memref<400x128xf32, #tpu.memory_space<vmem>>, vector<400x128xf32>
    tpu.vector_store %arg5[%swap3A, %swap3A_34], %add3A_33 {strides = array<i32>} : memref<400x128xf32, #tpu.memory_space<vmem>>, vector<400x128xf32>,
    return
  }
  func.func @transform_0(%arg0: i32) -> (i32, i32, i32) {
    %c0_i32 = arith.constant 0 : i32
    %c0_i32_0 = arith.constant 0 : i32
    %c0_i32_1 = arith.constant 0 : i32
    return %c0_i32, %arg0, %c0_i32_0 : i32, i32, i32
  }
  func.func @transform_1(%arg0: i32) -> (i32, i32) {
    %c0_i32 = arith.constant 0 : i32
    %c0_i32_0 = arith.constant 0 : i32
    return %arg0, %c0_i32 : i32, i32
  }
  func.func @transform_2(%arg0: i32) -> (i32, i32, i32) {
    %c0_i32 = arith.constant 0 : i32
    %c0_i32_0 = arith.constant 0 : i32
    %c0_i32_1 = arith.constant 0 : i32
    return %c0_i32, %arg0, %c0_i32_0 : i32, i32, i32
  }
  func.func @transform_3(%arg0: i32) -> (i32, i32) {
    %c0_i32 = arith.constant 0 : i32
    %c0_i32_0 = arith.constant 0 : i32
    %c0_i32_1 = arith.constant 0 : i32
    return %c0_i32, %c0_i32_0 : i32, i32
  }
  func.func @transform_4(%arg0: i32) -> (i32, i32) {
    %c0_i32 = arith.constant 0 : i32
    %c0_i32_0 = arith.constant 0 : i32
    return %arg0, %c0_i32 : i32, i32
  }
}

</mosaic_0001>

<sc_bundles>
// kernel: kernel.12.cloned.1.call-start
scs
__scs_entry_jumppad:
0x0: {  	(pc) =	sbr.rel $0x88, $3  }
0x1: {  	(tag) =	ssettag $0x0;
	lr =	simm.s32 $0x1  }
0x2: {  	[smem:$0x3F9B] =	sst lr;
	_ =	strace $0xD0000000  }
0x3: {  	_ = 	snop  }
0x4: {  	_ = 	snop  }
0x5: {  	_ = 	snop  }
0x6: {  	_ = 	snop  }
0x7: {  	_ = 	snop  }
__scs_overlays_trampoline_lowered:
0x8: {  	[smem:$0x3FAA] =	sst s0  }
0x9: {  	[smem:$0x3FAB] =	sst s1  }
0xa: {  	[smem:$0x3FAC] =	sst s2  }
0xb: {  	[smem:$0x3FAD] =	sst s3  }
0xc: {  	[smem:$0x3FAE] =	sst s4  }
0xd: {  	[smem:$0x3FAF] =	sst s5  }
0xe: {  	[smem:$0x3FB0] =	sst s6  }
0xf: {  	[smem:$0x3FB1] =	sst s7  }
0x10: {  	[smem:$0x3FB2] =	sst s8  }
0x11: {  	[smem:$0x3FB3] =	sst s9;
	s0 =	simm.s32 @!p0 $0x0  }
0x12: {  	s1 =	sld [smem:$0x3F99];
	s0 =	simm.s32 @p0 $0x1  }
0x13: {  	[smem:$0x3FB4] =	sst s0;
	s0 =	simm.s32 @!p1 $0x0  }
0x14: {  	s2 =	sld [smem:$0x3F98];
	s0 =	simm.s32 @p1 $0x1  }
0x15: {  	[smem:$0x3FB5] =	sst s0;
	s0 =	simm.s32 @!p2 $0x0  }
0x16: {  	s3 =	sld [smem:$0x3FDB];
	s0 =	simm.s32 @p2 $0x1  }
0x17: {  	s4 =	simm.s32 $0x1BF5;
	[smem:$0x3FB7] =	sst s0  }
0x18: {  	s0 =	sld [smem:$0x3F9A];
	_ =	swait.ge [sflag:s4], $0x0  }
0x19: {  	s7 =	sld [smem:$0x3F9B]  }
0x1a: {  	s8 =	sadd.s32 $0xFFFFE003, lr  }
0x1b: {  	s9 =	sadd.s32 $0xFFFFFEF7, lr;
	s5 =	simm.s32 $0xFFFFFFFF;
	p2 =	slt.u32 s8, $0xFFFFF086  }
0x1c: {  	p1 =	slt.u32 s9, $0xF7A;
	s5 =	simm.s32 @!p2 $0x0  }
0x1d: {  	s5 =	simm.s32 @p1 $0x1;
	p0 =	seq.s32 s7, s2  }
0x1e: {  	s7 =	smul.u32 @!p0 $0xF7A, s2;
	p2 =	seq.s32 @!p0 s5, $0x0  }
0x1f: {  	s9 =	smul.u32 $0xF7A, s1;
	s8 =	simm.s32 @!p0 $0x1BF5;
	p2 =	por !p2, p0  }
0x20: {  	[sflag:s8] =	ssyncset.s32 @!p0 $0xFFFFF086;
	s6 =	sadd.s32 @!p0 s3, s7;
	s7 =	simm.s32 @!p0 $0x108  }
0x21: {  	s3 =	sadd.s32 s3, s9;
	s6 =	sadd.s32 @!p0 $0x88, s6;
	s7 =	simm.s32 @p2 $0x1082  }
0x22: {  	[simem:s7], [sflag:s8] =	dma.local @!p0 [hbm:s6], $0xF7A  }
0x23: {  	s9 =	sor.u32 $0xD0000000, s2;
	s6 =	simm.s32 $0x108;
	_ =	swait.ge @!p0 [sflag:s8], $0x0  }
0x24: {  	s3 =	sadd.s32 $0x88, s3;
	s6 =	simm.s32 @!p1 $0x1082;
	[sflag:s4] =	ssyncset.s32 $0xFFFFF086  }
0x25: {  	[simem:s6], [sflag:s4] =	dma.local [hbm:s3], $0xF7A  }
0x26: {  	[smem:$0x3F9B] =	sst s1;
	(tag) =	ssettag s2;
	_ =	strace s9  }
0x27: {  	s1 =	sld [smem:$0x3FAB]  }
0x28: {  	s2 =	sld [smem:$0x3FAC]  }
0x29: {  	s4 =	sld [smem:$0x3FAE]  }
0x2a: {  	p0 =	seq.s32 s5, $0x0;
	s5 =	sld [smem:$0x3FAF]  }
0x2b: {  	s6 =	sld [smem:$0x3FB0]  }
0x2c: {  	s7 =	sld [smem:$0x3FB1]  }
0x2d: {  	s3 =	simm.s32 $0x108;
	s8 =	sld [smem:$0x3FB2]  }
0x2e: {  	s3 =	simm.s32 @!p0 $0x1082;
	s9 =	sld [smem:$0x3FB3]  }
0x2f: {  	lr =	sadd.s32 s0, s3;
	s0 =	sld [smem:$0x3FAA]  }
0x30: {  	s3 =	sld [smem:$0x3FAD]  }
0x31: {  	[smem:$0x3FB6] =	sst s10  }
0x32: {  	s10 =	sld [smem:$0x3FB4];
	_ =	sdelay $0x3  }
0x33: {  	p0 =	seq.s32 s10, $0x1;
	s10 =	sld [smem:$0x3FB6];
	_ =	sdelay $0x3  }
0x34: {  	[smem:$0x3FB6] =	sst s10  }
0x35: {  	s10 =	sld [smem:$0x3FB5];
	_ =	sdelay $0x3  }
0x36: {  	p1 =	seq.s32 s10, $0x1;
	s10 =	sld [smem:$0x3FB6];
	_ =	sdelay $0x3  }
0x37: {  	[smem:$0x3FB6] =	sst s10  }
0x38: {  	s10 =	sld [smem:$0x3FB7]  }
0x39: {  	_ = 	snop;
	(pc) =	sbr.ind lr, $3  }
0x3a: {  	_ = 	snop  }
0x3b: {  	_ = 	snop  }
0x3c: {  	p2 =	seq.s32 s10, $0x1;
	s10 =	sld [smem:$0x3FB6]  }
0x3d: {  	_ =	shalt  }
0x3e: {  	_ =	shalt  }
0x3f: {  	_ =	shalt  }
0x40: {  	_ =	shalt  }
0x41: {  	_ =	shalt  }
0x42: {  	_ =	shalt  }
0x43: {  	_ =	shalt  }
0x44: {  	_ =	shalt  }
0x45: {  	_ =	shalt  }
0x46: {  	_ =	shalt  }
0x47: {  	_ =	shalt  }
0x48: {  	_ =	shalt  }
0x49: {  	_ =	shalt  }
0x4a: {  	_ =	shalt  }
0x4b: {  	_ =	shalt  }
0x4c: {  	_ =	shalt  }
0x4d: {  	_ =	shalt  }
0x4e: {  	_ =	shalt  }
0x4f: {  	_ =	shalt  }
0x50: {  	_ =	shalt  }
0x51: {  	_ =	shalt  }
0x52: {  	_ =	shalt  }
0x53: {  	_ =	shalt  }
0x54: {  	_ =	shalt  }
0x55: {  	_ =	shalt  }
0x56: {  	_ =	shalt  }
0x57: {  	_ =	shalt  }
0x58: {  	_ =	shalt  }
0x59: {  	_ =	shalt  }
0x5a: {  	_ =	shalt  }
0x5b: {  	_ =	shalt  }
0x5c: {  	_ =	shalt  }
0x5d: {  	_ =	shalt  }
0x5e: {  	_ =	shalt  }
0x5f: {  	_ =	shalt  }
0x60: {  	_ =	shalt  }
0x61: {  	_ =	shalt  }
0x62: {  	_ =	shalt  }
0x63: {  	_ =	shalt  }
0x64: {  	_ =	shalt  }
0x65: {  	_ =	shalt  }
0x66: {  	_ =	shalt  }
0x67: {  	_ =	shalt  }
0x68: {  	_ =	shalt  }
0x69: {  	_ =	shalt  }
0x6a: {  	_ =	shalt  }
0x6b: {  	_ =	shalt  }
0x6c: {  	_ =	shalt  }
0x6d: {  	_ =	shalt  }
0x6e: {  	_ =	shalt  }
0x6f: {  	_ =	shalt  }
0x70: {  	_ =	shalt  }
0x71: {  	_ =	shalt  }
0x72: {  	_ =	shalt  }
0x73: {  	_ =	shalt  }
0x74: {  	_ =	shalt  }
0x75: {  	_ =	shalt  }
0x76: {  	_ =	shalt  }
0x77: {  	_ =	shalt  }
0x78: {  	_ =	shalt  }
0x79: {  	_ =	shalt  }
0x7a: {  	_ =	shalt  }
0x7b: {  	_ =	shalt  }
0x7c: {  	_ =	shalt  }
0x7d: {  	_ =	shalt  }
0x7e: {  	_ =	shalt  }
0x7f: {  	_ =	shalt  }
0x80: {  	_ =	shalt  }
0x81: {  	_ =	shalt  }
0x82: {  	_ =	shalt  }
0x83: {  	_ =	shalt  }
0x84: {  	_ =	shalt  }
0x85: {  	_ =	shalt  }
0x86: {  	_ =	shalt  }
0x87: {  	_ =	shalt  }
.Lfunc_end0:
.L_simem_size_0:
called_computation.1_lowered:
.L_overlay_start_0:
0x88: {  	s2 =	sld [smem:$0x3FD9]  }
0x89: {  	s3 =	sld [smem:$0x3FFE];
	_ =	sdelay $0x1  }
0x8a: {  	s1 =	srdreg.scid  }
0x8b: {  	s0 =	sand.u32 $0x1, s1  }
0x8c: {  	s17 =	sshll.u32 s0, $0xA;
	s2 =	sadd.s32 s3, s2  }
0x8d: {  	s2 =	sadd.s32 s2, s17  }
0x8e: {  	[smem:$0x3FC2] =	sst s2  }
0x8f: {  	_ = 	snop  }
0x90: {  	s2 =	sld [smem:$0x3FD0];
	(tm) =	ssettm $0x1  }
0x91: {  	s18 =	sld [smem:$0x3FFB];
	_ =	sdelay $0x3  }
0x92: {  	_ =	strace s18  }
0x93: {  	s3 =	sld [smem:$0x3FFC];
	_ =	sdelay $0x3  }
0x94: {  	_ =	strace s3  }
0x95: {  	s3 =	sld [smem:$0x3FFD];
	_ =	sdelay $0x3  }
0x96: {  	_ =	strace s3  }
0x97: {  	_ =	strace $0x8FFFFFFF  }
0x98: {  	s19 =	sld [smem:$0x3FDB];
	_ =	sdelay $0x1  }
0x99: {  	s4 =	simm.s32 $_scs_section_size  }
0x9a: {  	s5 =	simm.s32 $_size__tile_overlayer_lowered;
	s6 =	simm.s32 $_tile_overlayer_lowered  }
0x9b: {  	s22 =	simm.s32 $0x1BFF;
	s21 =	sshll.u32 s6, $0x1;
	s3 =	sadd.s32 s4, s19  }
0x9c: {  	s7 =	simm.s32 $0x0;
	s20 =	sshll.u32 s5, $0x1;
	s5 =	sadd.s32 s21, s3  }
0x9d: {  	[timem:s7], [sflag:s22] =	dma.local [hbm:s5], s20  }
0x9e: {  	_ =	swait.ge [sflag:s22], s20  }
0x9f: {  	s4 =	ssub.s32 $0x0, s20;
	[sflag:s22] =	ssyncset.done $0x0  }
0xa0: {  	[sflag:s22] =	ssyncadd.s32 s4;
	_ =	sdelay $0x1  }
0xa1: {  	s23 =	simm.s32 $0x1B8B  }
0xa2: {  	_ =	swait.ge [sflag:s23], $0x1  }
0xa3: {  	[sflag:s23] =	ssyncset.done $0x0  }
0xa4: {  	s25 =	simm.s32 $0x1B8E;
	s24 =	sld [smem:$0x3FFE];
	[sflag:s23] =	ssyncadd.s32 $0xFFFFFFFF  }
0xa5: {  	s26 =	simm.s32 $execute0_lowered;
	[smem:$0x3FD2] =	sst s25  }
0xa6: {  	s5 =	sshll.u32 s26, $0x1;
	_ =	strace $0x80000049;
	[dreg:$0x1] =	wrdreg $0xFFFFFFFF  }
0xa7: {  	s28 =	simm.s32 $_size_execute0_lowered;
	s3 =	sadd.s32 s3, s5;
	[dreg:$0x0] =	wrdreg $0x0  }
0xa8: {  	s5 =	sshll.u32 s28, $0x1;
	[dreg:$0x2] =	wrdreg s3  }
0xa9: {  	[dreg:$0x3] =	wrdreg s5  }
0xaa: {  	[dreg:$0x4] =	wrdreg $0xC0  }
0xab: {  	_ =	task [dreg:s7], $0x5FFFF  }
0xac: {  	[dreg:$0x1] =	wrdreg $0xFFFFFFFF  }
0xad: {  	[dreg:$0x0] =	wrdreg $0x60  }
0xae: {  	[dreg:$0x2] =	wrdreg s24  }
0xaf: {  	[dreg:$0x3] =	wrdreg s2  }
0xb0: {  	[dreg:$0x4] =	wrdreg $0x0  }
0xb1: {  	[dreg:$0x5] =	wrdreg $0x9  }
0xb2: {  	_ =	task.clear_ibuf [dreg:s7], $0x6FFFF;
	_ =	strace $0x90000049  }
0xb3: {  	s29 =	simm.s32 $0x9;
	_ =	strace $0x8000004B  }
0xb4: {  	_ =	swait.ge [sflag:s29], $0x1  }
0xb5: {  	[sflag:s29] =	ssyncadd.s32 $0xFFFFFFFF  }
0xb6: {  	_ =	strace $0x9000004B  }
0xb7: {  	_ =	sfence  }
0xb8: {  	s30 =	sld [smem:$0x0];
	_ =	sdelay $0x2  }
0xb9: {  	s31 =	sshll.u32 s1, $0xD;
	s1 =	sshrl.u32 s1, $0x2  }
0xba: {  	s3 =	sand.u32 $0x4000, s31;
	s1 =	sadd.s32 s1, s30  }
0xbb: {  	s0 =	sor.u32 s3, s0;
	s1 =	sshll.u32 s1, $0x11  }
0xbc: {  	s0 =	sor.u32 s1, s0  }
0xbd: {  	s0 =	sadd.s32 $0x8F2B, s0  }
0xbe: {  	[sflag:s0] =	ssyncadd.remote.s32 $0x1  }
0xbf: {  	_ =	sfence.sel $0xFFFF  }
0xc0: {  	[dreg:$0x0] =	wrdreg $0xFFFFFFFF;
	(pc) =	sbr.abs _section_cstart, $3  }
0xc1: {  	[dreg:$0x1] =	wrdreg $0xFFFFFFFF  }
0xc2: {  	_ =	task.clear_ibuf [dreg:s7], $0x2FFFF;
	_ =	strace $0x9FFFFFFF  }
0xc3: {  	(tm) =	ssettm $0x7FFFFFFF  }
tec
execute0_lowered:
.L_overlay_start_1:
0x0: {  	(tag) =	ssettag $0x1  }
0x1: {  	s0 =	rddreg [dreg:$0x0]  }
0x2: {  	s2 =	rddreg [dreg:$0x1]  }
0x3: {  	s1 =	rddreg [dreg:$0x2]  }
0x4: {  	s3 =	srdreg.scid;
	s24 =	stileid.u32  }
0x5: {  	s4 =	simm.s32 $0x0;
	s16 =	simm.s32 $0x16000;
	s7 =	smul.u32 $0x14000, s24  }
0x6: {  	s17 =	simm.s32 $0x3;
	s18 =	simm.s32 $0x14000;
	s25 =	smul.u32 $0x5000, s24  }
0x7: {  	s20 =	simm.s32 $0x80;
	s23 =	simm.s32 $0x0;
	s9 =	smul.u32 $0x50000, s24  }
0x8: {  	s5 =	sand.u32 $0x1, s3;
	[smem:$0x7FF] =	sst s4;
	s30 =	smul.u32 $0xA00, s24  }
0x9: {  	s4 =	sadd.s32 $0x66800, s0;
	s13 =	sadd.s32 $0x2800, s0;
	s6 =	smul.u32 $0x140000, s5  }
0xa: {  	_ =	strace $0x8000004A;
	s8 =	smul.u32 $0x50000, s5;
	s5 =	ssub.s32 $0x2, s5  }
0xb: {  	s26 =	sshrl.u32 s5, $0x1;
	s28 =	sshrl.u32 s9, $0x2;
	s6 =	sadd.s32 s7, s6  }
0xc: {  	s14 =	sadd.s32 s25, s8;
	s10 =	ssub.s32 s5, s26;
	s5 =	sadd.s32 s28, s1  }
0xd: {  	s7 =	sshrl.u32 s25, $0x3;
	s6 =	sshrl.u32 s6, $0x3;
	s29 =	sshrl.u32 s14, $0x3  }
0xe: {  	s7 =	sadd.s32 s13, s7;
	s9 =	smax.u32 s10, $0x1;
	s10 =	sadd.s32 $0x4000, s5  }
0xf: {  	s11 =	sadd.s32 $0x8000, s5;
	s12 =	sadd.s32 $0xC000, s5;
	s15 =	sor.u32 $0x100, s14  }
0x10: {  	s0 =	sadd.s32 s6, s0;
	s6 =	sadd.s32 s2, s29;
	s31 =	sshrl.u32 s15, $0x3  }
0x11: {  	[dreg:$0x4] =	wrdreg s6;
	s8 =	sadd.s32 $0xB6800, s0;
	s0 =	sadd.s32 s30, s13  }
0x12: {  	v0 =	vimm.f32 $0.0e+00;
	s13 =	sadd.s32 $0x10000, s5;
	s15 =	sadd.s32 s31, s2;
	s14 =	sadd.s32 $0x20, s0  }
.LBB2_1:
0x13: {  	s0 =	simm.s32 $0x0;
	s24 =	simm.s32 $0x200  }
.LBB2_2:
0x14: {  	p0 =	sne.s32 s24, $0xFE00;
	[tilespmem:s0+$0x16070] =	vst v0  }
0x15: {  	[tilespmem:s0+$0x16000] =	vst v0  }
0x16: {  	[tilespmem:s0+$0x16010] =	vst v0  }
.Ltmp0:
0x17: {  	[tilespmem:s0+$0x16020] =	vst v0;
	(pc) =	sbr.rel @p0 .LBB2_2-.Ltmp0, $4  }
0x18: {  	[tilespmem:s0+$0x16030] =	vst v0  }
0x19: {  	[tilespmem:s0+$0x16040] =	vst v0  }
0x1a: {  	[tilespmem:s0+$0x16050] =	vst v0  }
0x1b: {  	[tilespmem:s0+$0x16060] =	vst v0;
	s0 =	sshra.s32 s24, $0x2;
	s24 =	sadd.s32 $0x200, s24  }
0x1c: {  	[tilespmem:s0+$0x16070] =	vst v0  }
0x1d: {  	[tilespmem:s0+$0x16000] =	vst v0  }
0x1e: {  	[tilespmem:s0+$0x16010] =	vst v0  }
0x1f: {  	[tilespmem:s0+$0x16020] =	vst v0  }
0x20: {  	[tilespmem:s0+$0x16030] =	vst v0  }
0x21: {  	[tilespmem:s0+$0x16040] =	vst v0  }
0x22: {  	[tilespmem:s0+$0x16050] =	vst v0  }
0x23: {  	[tilespmem:s0+$0x16060] =	vst v0  }
0x24: {  	[spmem:s5] =	stream.linear.scatter [tilespmem:s16], [sflag:$0x3], $0x4000, $0x38;
	[tilespmem:$0x1E000] =	vst v63  }
0x25: {  	_ =	swait.ge [sflag:s17], $0x4000  }
0x26: {  	[sflag:s17] =	ssyncset.done $0x0  }
0x27: {  	[sflag:s17] =	ssyncadd.s32 $0xFFFFC000  }
0x28: {  	[spmem:s10] =	stream.linear.scatter [tilespmem:s16], [sflag:$0x3], $0x4000, $0x38;
	[tilespmem:$0x1E000] =	vst v63  }
0x29: {  	_ =	swait.ge [sflag:s17], $0x4000  }
0x2a: {  	[sflag:s17] =	ssyncset.done $0x0  }
0x2b: {  	[sflag:s17] =	ssyncadd.s32 $0xFFFFC000  }
0x2c: {  	[spmem:s11] =	stream.linear.scatter [tilespmem:s16], [sflag:$0x3], $0x4000, $0x38;
	[tilespmem:$0x1E000] =	vst v63  }
0x2d: {  	_ =	swait.ge [sflag:s17], $0x4000  }
0x2e: {  	[sflag:s17] =	ssyncset.done $0x0  }
0x2f: {  	[sflag:s17] =	ssyncadd.s32 $0xFFFFC000  }
0x30: {  	[spmem:s12] =	stream.linear.scatter [tilespmem:s16], [sflag:$0x3], $0x4000, $0x38;
	[tilespmem:$0x1E000] =	vst v63  }
0x31: {  	_ =	swait.ge [sflag:s17], $0x4000  }
0x32: {  	[sflag:s17] =	ssyncset.done $0x0  }
0x33: {  	[sflag:s17] =	ssyncadd.s32 $0xFFFFC000  }
0x34: {  	[spmem:s13] =	stream.linear.scatter [tilespmem:s16], [sflag:$0x3], $0x4000, $0x38;
	[tilespmem:$0x1E000] =	vst v63  }
0x35: {  	_ =	swait.ge [sflag:s17], $0x4000  }
0x36: {  	[sflag:s17] =	ssyncset.done $0x0  }
0x37: {  	[sflag:s17] =	ssyncadd.s32 $0xFFFFC000  }
0x38: {  	[bflag:$0x0] =	sbarrier.arrive $0xFFFF  }
0x39: {  	s19 =	simm.s32 $0x0;
	s2 =	rddreg [dreg:$0x4]  }
0x3a: {  	[tilespmem:s18], [sflag:$0x3] =	stream.linear.gather [hbm4b:s2+s19], $0x800, $0x38;
	[tilespmem:$0x1E000] =	vst v63  }
0x3b: {  	_ =	swait.ge [sflag:s17], $0x800  }
0x3c: {  	[sflag:s17] =	ssyncset.done $0x0  }
0x3d: {  	s21 =	simm.s32 $0x15000;
	s22 =	simm.s32 $0x14080;
	[sflag:s17] =	ssyncadd.s32 $0xFFFFF800  }
0x3e: {  	[tilespmem:s21], [sflag:$0x3] =	stream.linear.gather [hbm4b:s7+s19], $0x800, $0x38;
	[tilespmem:$0x1E000] =	vst v63  }
0x3f: {  	s24 =	simm.s32 $0x1A000;
	s25 =	simm.s32 $0x0;
	_ =	swait.ge [sflag:s17], $0x800  }
0x40: {  	p0 =	por $0x0, $0x0;
	s0 =	sand.u32 $0x1, s25;
	[sflag:s17] =	ssyncset.done $0x0  }
0x41: {  	s25 =	sshll.u32 s0, $0xE;
	s2 =	simm.s32 $0x2;
	[sflag:s17] =	ssyncadd.s32 $0xFFFFF800  }
0x42: {  	[tilespmem:s16], [sflag:$0x1] =	stream.indirect.gather [hbm4b:s4+s20], $0x80, s18, s20, $0xb8;
	[tilespmem:$0x1E000] =	vst v63  }
0x43: {  	s26 =	simm.s32 $0x0;
	s25 =	sadd.s32 $0x16000, s25;
	s2 =	sand.u32 @!p0 $0xF, s2  }
0x44: {  	[tilespmem:s24], [sflag:$0x2] =	stream.indirect.gather [hbm4b:s4+s20], $0x80, s22, s20, $0xb8;
	[tilespmem:$0x1E000] =	vst v63  }
0x45: {  	p1 =	sne.s32 @!p0 s2, $0x0;
	s2 =	sshll.u32 @!p0 s2, $0x7;
	s24 =	sadd.s32 $0x1, s0  }
0x46: {  	p1 =	por p1, p0;
	s0 =	sand.u32 $0x3E00, s26;
	_ =	swait.ge [sflag:s24], $0x4000  }
0x47: {  	s19 =	simm.s32 $0x400;
	s0 =	sshrl.u32 s0, $0x2;
	[sflag:s24] =	ssyncset.done $0x0  }
0x48: {  	s30 =	simm.s32 @!p1 $0x0;
	s0 =	sor.u32 $0x15000, s0;
	[sflag:s24] =	ssyncadd.s32 $0xFFFFC000  }
0x49: {  	[spmem:s1] =	stream.indirect.scatter.add.f32 [tilespmem:s25], [sflag:$0x3], $0x80, s0, s20, $0xb8;
	[tilespmem:$0x1E000] =	vst v63  }
0x4a: {  	s19 =	sand.u32 @!p0 $0x2000, s19;
	s0 =	simm.s32 $0x100;
	_ =	swait.ge [sflag:s17], $0x4000  }
0x4b: {  	s19 =	sshrl.u32 @!p0 s19, $0x2;
	s28 =	sand.u32 @!p1 $0x800, s0;
	[sflag:s17] =	ssyncset.done $0x0  }
0x4c: {  	s0 =	simm.s32 @!p1 $0x3;
	s29 =	sor.u32 @!p1 $0x14000, s28;
	[sflag:s17] =	ssyncadd.s32 $0xFFFFC000  }
0x4d: {  	[tilespmem:s29], [sflag:$0x3] =	stream.linear.gather @!p1 [hbm4b:s15+s30], $0x800, $0x38;
	[tilespmem:$0x1E000] =	vst v63  }
0x4e: {  	s2 =	sor.u32 @!p0 s2, s19;
	_ =	swait.ge @!p1 [sflag:s0], $0x800  }
0x4f: {  	s19 =	simm.s32 @!p0 $0x80;
	s2 =	sor.u32 @!p0 $0x14000, s2;
	[sflag:s0] =	ssyncset.done @!p1 $0x0  }
0x50: {  	s26 =	simm.s32 $0x3;
	s31 =	sor.u32 @!p1 $0x15000, s28;
	[sflag:s0] =	ssyncadd.s32 @!p1 $0xFFFFF800  }
0x51: {  	[tilespmem:s31], [sflag:$0x3] =	stream.linear.gather @!p1 [hbm4b:s14+s30], $0x800, $0x38;
	[tilespmem:$0x1E000] =	vst v63  }
0x52: {  	s28 =	sadd.s32 $0x10, s14;
	s29 =	sadd.s32 $0x10, s15;
	_ =	swait.ge @!p1 [sflag:s0], $0x800  }
0x53: {  	s30 =	simm.s32 $0x600;
	s31 =	simm.s32 $0x180;
	[sflag:s0] =	ssyncset.done @!p1 $0x0  }
.LBB2_4:
0x54: {  	s21 =	sadd.s32 $0xFFFFFFFE, s26;
	[sflag:s0] =	ssyncadd.s32 @!p1 $0xFFFFF800  }
0x55: {  	s0 =	smov.u32 s26;
	s26 =	sadd.s32 $0x1, s26;
	s22 =	smov.u32 s28  }
0x56: {  	[tilespmem:s25], [sflag:s24] =	stream.indirect.gather @!p0 [hbm4b:s4+s19], $0x80, s2, s19, $0xb8;
	[tilespmem:$0x1E000] =	vst v63  }
0x57: {  	s2 =	sand.u32 $0x1, s21;
	p2 =	sne.s32 s26, $0xA2  }
0x58: {  	s19 =	sshll.u32 s2, $0xE;
	s24 =	sadd.s32 $0x1, s2;
	s2 =	sadd.s32 $0xFFFFFC00, s30  }
0x59: {  	s25 =	sadd.s32 $0x16000, s19;
	s2 =	sand.u32 $0x3E00, s2;
	_ =	swait.ge [sflag:s24], $0x4000  }
0x5a: {  	p0 =	sgt.u32 s21, $0x9D;
	s2 =	sshrl.u32 s2, $0x2;
	[sflag:s24] =	ssyncset.done $0x0  }
0x5b: {  	s19 =	sand.u32 @!p0 $0xF, s0;
	s2 =	sor.u32 $0x15000, s2;
	[sflag:s24] =	ssyncadd.s32 $0xFFFFC000  }
0x5c: {  	[spmem:s1] =	stream.indirect.scatter.add.f32 [tilespmem:s25], [sflag:$0x3], $0x80, s2, s20, $0xb8;
	[tilespmem:$0x1E000] =	vst v63  }
0x5d: {  	s0 =	sand.u32 @!p0 $0x2000, s30;
	p1 =	sne.s32 @!p0 s19, $0x0;
	_ =	swait.ge [sflag:s17], $0x4000  }
0x5e: {  	p1 =	por p1, p0;
	s2 =	sshrl.u32 @!p0 s0, $0x2;
	[sflag:s17] =	ssyncset.done $0x0  }
0x5f: {  	s21 =	sand.u32 @!p1 $0x800, s31;
	s3 =	simm.s32 @!p1 $0x0;
	[sflag:s17] =	ssyncadd.s32 $0xFFFFC000  }
0x60: {  	s6 =	sor.u32 @!p1 $0x14000, s21;
	s0 =	simm.s32 @!p1 $0x3;
	s21 =	sor.u32 @!p1 $0x15000, s21  }
0x61: {  	[tilespmem:s6], [sflag:$0x3] =	stream.linear.gather @!p1 [hbm4b:s29+s3], $0x800, $0x38;
	[tilespmem:$0x1E000] =	vst v63  }
0x62: {  	s6 =	sshll.u32 @!p0 s19, $0x7;
	_ =	swait.ge @!p1 [sflag:s0], $0x800  }
.Ltmp1:
0x63: {  	s2 =	sor.u32 @!p0 s6, s2;
	[sflag:s0] =	ssyncset.done @!p1 $0x0;
	(pc) =	sbr.rel @p2 .LBB2_4-.Ltmp1, $4  }
0x64: {  	s28 =	sadd.s32 $0x10, s28;
	s29 =	sadd.s32 $0x10, s29;
	[sflag:s0] =	ssyncadd.s32 @!p1 $0xFFFFF800  }
0x65: {  	[tilespmem:s21], [sflag:$0x3] =	stream.linear.gather @!p1 [hbm4b:s22+s3], $0x800, $0x38;
	[tilespmem:$0x1E000] =	vst v63  }
0x66: {  	s30 =	sadd.s32 $0x200, s30;
	s31 =	sadd.s32 $0x80, s31;
	_ =	swait.ge @!p1 [sflag:s0], $0x800  }
0x67: {  	s19 =	simm.s32 @!p0 $0x80;
	s2 =	sor.u32 @!p0 $0x14000, s2;
	[sflag:s0] =	ssyncset.done @!p1 $0x0  }
0x68: {  	[sflag:s0] =	ssyncadd.s32 @!p1 $0xFFFFF800;
	s30 =	stileid.u32;
	s23 =	sadd.s32 $0x1, s23  }
0x69: {  	[tilespmem:s25], [sflag:s24] =	stream.indirect.gather @!p0 [hbm4b:s4+s19], $0x80, s2, s19, $0xb8;
	[tilespmem:$0x1E000] =	vst v63  }
0x6a: {  	s31 =	sshrl.u32 s5, $0x3;
	s0 =	sshll.u32 s30, $0x6;
	p0 =	sne.s32 s23, s9  }
.Ltmp2:
0x6b: {  	[bflag:$0x0] =	sbarrier.arrive $0xFFFF;
	s0 =	sor.u32 $0x1C03, s0;
	(pc) =	sbr.rel @p0 .LBB2_1-.Ltmp2, $4  }
0x6c: {  	[hbm:s8], [sflag:s0] =	dma.local [spmem:s31], $0x2800  }
0x6d: {  	_ =	swait.ge [sflag:s17], $0x2800  }
0x6e: {  	[sflag:s17] =	ssyncset.done $0x0  }
0x6f: {  	[sflag:s17] =	ssyncadd.s32 $0xFFFFD800  }
0x70: {  	_ =	sfence.sel $0x180000  }
0x71: {  	[bflag:$0x0] =	sbarrier.arrive $0xFFFF  }
0x72: {  	_ =	strace $0x9000004A  }
0x73: {  	s0 =	stileid.u32;
	[bflag:$0x2] =	sbarrier.arrive $0xFFFF  }
0x74: {  	p0 =	sne.s32 s0, $0x0;
	s0 =	rddreg [dreg:$0x3]  }
0x75: {  	s0 =	sadd.s32 @!p0 $0x100000, s0  }
0x76: {  	[sflag:s0] =	ssyncadd.tile.s32 @!p0 $0x1;
	_ =	shalt  }
.Lfunc_end2:
_tile_overlayer_lowered:
.L_overlay_start_2:
0x77: {  	(tag) =	ssettag $0x2  }
0x78: {  	s0 =	rddreg [dreg:$0x0];
	s2 =	stileid.u32  }
0x79: {  	s1 =	rddreg [dreg:$0x1];
	p0 =	sne.s32 s2, $0x0  }
0x7a: {  	s3 =	rddreg [dreg:$0x2];
	[bflag:$0x3] =	sbarrier.arrive $0xFFFF;
	s2 =	simm.s32 @!p0 $0x1C03  }
0x7b: {  	[timem:s3], [sflag:s2] =	dma.local @!p0 [hbm:s0], s1  }
0x7c: {  	s0 =	simm.s32 @!p0 $0x3  }
0x7d: {  	_ =	swait.ge @!p0 [sflag:s0], s1  }
0x7e: {  	s1 =	ssub.s32 @!p0 $0x0, s1;
	[sflag:s0] =	ssyncset.done @!p0 $0x0  }
0x7f: {  	[sflag:s0] =	ssyncadd.s32 @!p0 s1  }
0x80: {  	[bflag:$0x3] =	sbarrier.arrive $0xFFFF  }
0x81: {  	_ =	shalt  }

// kernel: kernel.15.cloned.1.call-start
scs
__scs_entry_jumppad:
0x0: {  	(pc) =	sbr.rel $0x88, $3  }
0x1: {  	(tag) =	ssettag $0x0;
	lr =	simm.s32 $0x1  }
0x2: {  	[smem:$0x3F9B] =	sst lr;
	_ =	strace $0xD0000000  }
0x3: {  	_ = 	snop  }
0x4: {  	_ = 	snop  }
0x5: {  	_ = 	snop  }
0x6: {  	_ = 	snop  }
0x7: {  	_ = 	snop  }
__scs_overlays_trampoline_lowered:
0x8: {  	[smem:$0x3FAA] =	sst s0  }
0x9: {  	[smem:$0x3FAB] =	sst s1  }
0xa: {  	[smem:$0x3FAC] =	sst s2  }
0xb: {  	[smem:$0x3FAD] =	sst s3  }
0xc: {  	[smem:$0x3FAE] =	sst s4  }
0xd: {  	[smem:$0x3FAF] =	sst s5  }
0xe: {  	[smem:$0x3FB0] =	sst s6  }
0xf: {  	[smem:$0x3FB1] =	sst s7  }
0x10: {  	[smem:$0x3FB2] =	sst s8  }
0x11: {  	[smem:$0x3FB3] =	sst s9;
	s0 =	simm.s32 @!p0 $0x0  }
0x12: {  	s1 =	sld [smem:$0x3F99];
	s0 =	simm.s32 @p0 $0x1  }
0x13: {  	[smem:$0x3FB4] =	sst s0;
	s0 =	simm.s32 @!p1 $0x0  }
0x14: {  	s2 =	sld [smem:$0x3F98];
	s0 =	simm.s32 @p1 $0x1  }
0x15: {  	[smem:$0x3FB5] =	sst s0;
	s0 =	simm.s32 @!p2 $0x0  }
0x16: {  	s3 =	sld [smem:$0x3FDB];
	s0 =	simm.s32 @p2 $0x1  }
0x17: {  	s4 =	simm.s32 $0x1BF5;
	[smem:$0x3FB7] =	sst s0  }
0x18: {  	s0 =	sld [smem:$0x3F9A];
	_ =	swait.ge [sflag:s4], $0x0  }
0x19: {  	s7 =	sld [smem:$0x3F9B]  }
0x1a: {  	s8 =	sadd.s32 $0xFFFFE003, lr  }
0x1b: {  	s9 =	sadd.s32 $0xFFFFFEF7, lr;
	s5 =	simm.s32 $0xFFFFFFFF;
	p2 =	slt.u32 s8, $0xFFFFF086  }
0x1c: {  	p1 =	slt.u32 s9, $0xF7A;
	s5 =	simm.s32 @!p2 $0x0  }
0x1d: {  	s5 =	simm.s32 @p1 $0x1;
	p0 =	seq.s32 s7, s2  }
0x1e: {  	s7 =	smul.u32 @!p0 $0xF7A, s2;
	p2 =	seq.s32 @!p0 s5, $0x0  }
0x1f: {  	s9 =	smul.u32 $0xF7A, s1;
	s8 =	simm.s32 @!p0 $0x1BF5;
	p2 =	por !p2, p0  }
0x20: {  	[sflag:s8] =	ssyncset.s32 @!p0 $0xFFFFF086;
	s6 =	sadd.s32 @!p0 s3, s7;
	s7 =	simm.s32 @!p0 $0x108  }
0x21: {  	s3 =	sadd.s32 s3, s9;
	s6 =	sadd.s32 @!p0 $0x88, s6;
	s7 =	simm.s32 @p2 $0x1082  }
0x22: {  	[simem:s7], [sflag:s8] =	dma.local @!p0 [hbm:s6], $0xF7A  }
0x23: {  	s9 =	sor.u32 $0xD0000000, s2;
	s6 =	simm.s32 $0x108;
	_ =	swait.ge @!p0 [sflag:s8], $0x0  }
0x24: {  	s3 =	sadd.s32 $0x88, s3;
	s6 =	simm.s32 @!p1 $0x1082;
	[sflag:s4] =	ssyncset.s32 $0xFFFFF086  }
0x25: {  	[simem:s6], [sflag:s4] =	dma.local [hbm:s3], $0xF7A  }
0x26: {  	[smem:$0x3F9B] =	sst s1;
	(tag) =	ssettag s2;
	_ =	strace s9  }
0x27: {  	s1 =	sld [smem:$0x3FAB]  }
0x28: {  	s2 =	sld [smem:$0x3FAC]  }
0x29: {  	s4 =	sld [smem:$0x3FAE]  }
0x2a: {  	p0 =	seq.s32 s5, $0x0;
	s5 =	sld [smem:$0x3FAF]  }
0x2b: {  	s6 =	sld [smem:$0x3FB0]  }
0x2c: {  	s7 =	sld [smem:$0x3FB1]  }
0x2d: {  	s3 =	simm.s32 $0x108;
	s8 =	sld [smem:$0x3FB2]  }
0x2e: {  	s3 =	simm.s32 @!p0 $0x1082;
	s9 =	sld [smem:$0x3FB3]  }
0x2f: {  	lr =	sadd.s32 s0, s3;
	s0 =	sld [smem:$0x3FAA]  }
0x30: {  	s3 =	sld [smem:$0x3FAD]  }
0x31: {  	[smem:$0x3FB6] =	sst s10  }
0x32: {  	s10 =	sld [smem:$0x3FB4];
	_ =	sdelay $0x3  }
0x33: {  	p0 =	seq.s32 s10, $0x1;
	s10 =	sld [smem:$0x3FB6];
	_ =	sdelay $0x3  }
0x34: {  	[smem:$0x3FB6] =	sst s10  }
0x35: {  	s10 =	sld [smem:$0x3FB5];
	_ =	sdelay $0x3  }
0x36: {  	p1 =	seq.s32 s10, $0x1;
	s10 =	sld [smem:$0x3FB6];
	_ =	sdelay $0x3  }
0x37: {  	[smem:$0x3FB6] =	sst s10  }
0x38: {  	s10 =	sld [smem:$0x3FB7]  }
0x39: {  	_ = 	snop;
	(pc) =	sbr.ind lr, $3  }
0x3a: {  	_ = 	snop  }
0x3b: {  	_ = 	snop  }
0x3c: {  	p2 =	seq.s32 s10, $0x1;
	s10 =	sld [smem:$0x3FB6]  }
0x3d: {  	_ =	shalt  }
0x3e: {  	_ =	shalt  }
0x3f: {  	_ =	shalt  }
0x40: {  	_ =	shalt  }
0x41: {  	_ =	shalt  }
0x42: {  	_ =	shalt  }
0x43: {  	_ =	shalt  }
0x44: {  	_ =	shalt  }
0x45: {  	_ =	shalt  }
0x46: {  	_ =	shalt  }
0x47: {  	_ =	shalt  }
0x48: {  	_ =	shalt  }
0x49: {  	_ =	shalt  }
0x4a: {  	_ =	shalt  }
0x4b: {  	_ =	shalt  }
0x4c: {  	_ =	shalt  }
0x4d: {  	_ =	shalt  }
0x4e: {  	_ =	shalt  }
0x4f: {  	_ =	shalt  }
0x50: {  	_ =	shalt  }
0x51: {  	_ =	shalt  }
0x52: {  	_ =	shalt  }
0x53: {  	_ =	shalt  }
0x54: {  	_ =	shalt  }
0x55: {  	_ =	shalt  }
0x56: {  	_ =	shalt  }
0x57: {  	_ =	shalt  }
0x58: {  	_ =	shalt  }
0x59: {  	_ =	shalt  }
0x5a: {  	_ =	shalt  }
0x5b: {  	_ =	shalt  }
0x5c: {  	_ =	shalt  }
0x5d: {  	_ =	shalt  }
0x5e: {  	_ =	shalt  }
0x5f: {  	_ =	shalt  }
0x60: {  	_ =	shalt  }
0x61: {  	_ =	shalt  }
0x62: {  	_ =	shalt  }
0x63: {  	_ =	shalt  }
0x64: {  	_ =	shalt  }
0x65: {  	_ =	shalt  }
0x66: {  	_ =	shalt  }
0x67: {  	_ =	shalt  }
0x68: {  	_ =	shalt  }
0x69: {  	_ =	shalt  }
0x6a: {  	_ =	shalt  }
0x6b: {  	_ =	shalt  }
0x6c: {  	_ =	shalt  }
0x6d: {  	_ =	shalt  }
0x6e: {  	_ =	shalt  }
0x6f: {  	_ =	shalt  }
0x70: {  	_ =	shalt  }
0x71: {  	_ =	shalt  }
0x72: {  	_ =	shalt  }
0x73: {  	_ =	shalt  }
0x74: {  	_ =	shalt  }
0x75: {  	_ =	shalt  }
0x76: {  	_ =	shalt  }
0x77: {  	_ =	shalt  }
0x78: {  	_ =	shalt  }
0x79: {  	_ =	shalt  }
0x7a: {  	_ =	shalt  }
0x7b: {  	_ =	shalt  }
0x7c: {  	_ =	shalt  }
0x7d: {  	_ =	shalt  }
0x7e: {  	_ =	shalt  }
0x7f: {  	_ =	shalt  }
0x80: {  	_ =	shalt  }
0x81: {  	_ =	shalt  }
0x82: {  	_ =	shalt  }
0x83: {  	_ =	shalt  }
0x84: {  	_ =	shalt  }
0x85: {  	_ =	shalt  }
0x86: {  	_ =	shalt  }
0x87: {  	_ =	shalt  }
.Lfunc_end0:
.L_simem_size_0:
called_computation.2_lowered:
.L_overlay_start_0:
0x88: {  	s2 =	sld [smem:$0x3FD9]  }
0x89: {  	s3 =	sld [smem:$0x3FFE];
	_ =	sdelay $0x1  }
0x8a: {  	s1 =	srdreg.scid  }
0x8b: {  	s0 =	sand.u32 $0x1, s1  }
0x8c: {  	s16 =	sshll.u32 s0, $0xA;
	s2 =	sadd.s32 s3, s2  }
0x8d: {  	s2 =	sadd.s32 s2, s16  }
0x8e: {  	[smem:$0x3FC2] =	sst s2  }
0x8f: {  	_ = 	snop  }
0x90: {  	(tm) =	ssettm $0x1  }
0x91: {  	s17 =	sld [smem:$0x3FFB];
	_ =	sdelay $0x3  }
0x92: {  	_ =	strace s17  }
0x93: {  	s2 =	sld [smem:$0x3FFC];
	_ =	sdelay $0x3  }
0x94: {  	_ =	strace s2  }
0x95: {  	s2 =	sld [smem:$0x3FFD];
	_ =	sdelay $0x3  }
0x96: {  	_ =	strace s2  }
0x97: {  	_ =	strace $0x8FFFFFFF  }
0x98: {  	s18 =	sld [smem:$0x3FDB];
	_ =	sdelay $0x1  }
0x99: {  	s19 =	simm.s32 $_scs_section_size  }
0x9a: {  	s4 =	simm.s32 $_size__tile_overlayer_lowered;
	s5 =	simm.s32 $_tile_overlayer_lowered  }
0x9b: {  	s22 =	simm.s32 $0x1BFF;
	s21 =	sshll.u32 s5, $0x1;
	s2 =	sadd.s32 s19, s18  }
0x9c: {  	s6 =	simm.s32 $0x0;
	s20 =	sshll.u32 s4, $0x1;
	s4 =	sadd.s32 s21, s2  }
0x9d: {  	[timem:s6], [sflag:s22] =	dma.local [hbm:s4], s20  }
0x9e: {  	_ =	swait.ge [sflag:s22], s20  }
0x9f: {  	s3 =	ssub.s32 $0x0, s20;
	[sflag:s22] =	ssyncset.done $0x0  }
0xa0: {  	[sflag:s22] =	ssyncadd.s32 s3;
	_ =	sdelay $0x1  }
0xa1: {  	s23 =	simm.s32 $0x1B8B  }
0xa2: {  	_ =	swait.ge [sflag:s23], $0x1  }
0xa3: {  	[sflag:s23] =	ssyncset.done $0x0  }
0xa4: {  	s25 =	simm.s32 $0x1B8E;
	s24 =	sld [smem:$0x3FFE];
	[sflag:s23] =	ssyncadd.s32 $0xFFFFFFFF  }
0xa5: {  	s26 =	simm.s32 $execute0_lowered;
	[smem:$0x3FD2] =	sst s25  }
0xa6: {  	s4 =	sshll.u32 s26, $0x1;
	_ =	strace $0x8000004C;
	[dreg:$0x1] =	wrdreg $0xFFFFFFFF  }
0xa7: {  	s28 =	simm.s32 $_size_execute0_lowered;
	s2 =	sadd.s32 s2, s4;
	[dreg:$0x0] =	wrdreg $0x0  }
0xa8: {  	s4 =	sshll.u32 s28, $0x1;
	[dreg:$0x2] =	wrdreg s2  }
0xa9: {  	[dreg:$0x3] =	wrdreg s4  }
0xaa: {  	[dreg:$0x4] =	wrdreg $0xC0  }
0xab: {  	_ =	task [dreg:s6], $0x5FFFF  }
0xac: {  	[dreg:$0x1] =	wrdreg $0xFFFFFFFF  }
0xad: {  	[dreg:$0x0] =	wrdreg $0x60  }
0xae: {  	[dreg:$0x2] =	wrdreg s24  }
0xaf: {  	[dreg:$0x3] =	wrdreg $0x0  }
0xb0: {  	[dreg:$0x4] =	wrdreg $0x9  }
0xb1: {  	_ =	task.clear_ibuf [dreg:s6], $0x5FFFF;
	_ =	strace $0x9000004C  }
0xb2: {  	s29 =	simm.s32 $0x9;
	_ =	strace $0x8000004E  }
0xb3: {  	_ =	swait.ge [sflag:s29], $0x1  }
0xb4: {  	[sflag:s29] =	ssyncadd.s32 $0xFFFFFFFF  }
0xb5: {  	_ =	strace $0x9000004E  }
0xb6: {  	_ =	sfence  }
0xb7: {  	s30 =	sld [smem:$0x0];
	_ =	sdelay $0x2  }
0xb8: {  	s31 =	sshll.u32 s1, $0xD;
	s1 =	sshrl.u32 s1, $0x2  }
0xb9: {  	s3 =	sand.u32 $0x4000, s31;
	s1 =	sadd.s32 s1, s30  }
0xba: {  	s0 =	sor.u32 s3, s0;
	s1 =	sshll.u32 s1, $0x11  }
0xbb: {  	s0 =	sor.u32 s1, s0  }
0xbc: {  	s0 =	sadd.s32 $0x8F2B, s0  }
0xbd: {  	[sflag:s0] =	ssyncadd.remote.s32 $0x1  }
0xbe: {  	_ =	sfence.sel $0xFFFF  }
0xbf: {  	[dreg:$0x0] =	wrdreg $0xFFFFFFFF;
	(pc) =	sbr.abs _section_cstart, $3  }
0xc0: {  	[dreg:$0x1] =	wrdreg $0xFFFFFFFF  }
0xc1: {  	_ =	task.clear_ibuf [dreg:s6], $0x2FFFF;
	_ =	strace $0x9FFFFFFF  }
0xc2: {  	(tm) =	ssettm $0x7FFFFFFF  }
0xc3: {  	_ =	shalt  }
tec
execute0_lowered:
.L_overlay_start_1:
0x0: {  	(tag) =	ssettag $0x1  }
0x1: {  	s0 =	rddreg [dreg:$0x0]  }
0x2: {  	s1 =	rddreg [dreg:$0x1]  }
0x3: {  	s3 =	simm.s32 $0x0;
	s2 =	srdreg.scid;
	s26 =	stileid.u32  }
0x4: {  	s16 =	simm.s32 $0x16000;
	s17 =	simm.s32 $0x3;
	s18 =	simm.s32 $0x14000  }
0x5: {  	s20 =	simm.s32 $0x80;
	s23 =	simm.s32 $0x0;
	s6 =	smul.u32 $0x14000, s26  }
0x6: {  	[smem:$0x7FF] =	sst s3;
	s2 =	sand.u32 $0x1, s2;
	s28 =	smul.u32 $0x50000, s26  }
0x7: {  	s4 =	sadd.s32 $0x66800, s0;
	s15 =	sadd.s32 $0xC800, s0;
	s9 =	smul.u32 $0x2800, s26  }
0x8: {  	s14 =	sadd.s32 $0x2800, s0;
	s5 =	smul.u32 $0x140000, s2;
	_ =	strace $0x8000004D  }
0x9: {  	s7 =	sshll.u32 s2, $0x4;
	s29 =	ssub.s32 $0x2, s2;
	s2 =	smul.u32 $0x28000, s2  }
0xa: {  	s7 =	sor.u32 s26, s7;
	s8 =	sshrl.u32 s29, $0x1;
	s5 =	sadd.s32 s6, s5  }
0xb: {  	s7 =	smul.u32 $0x2800, s7;
	s6 =	sshrl.u32 s28, $0x2;
	s10 =	ssub.s32 s29, s8  }
0xc: {  	s2 =	sadd.s32 s9, s2;
	s5 =	sshrl.u32 s5, $0x3;
	s9 =	smax.u32 s10, $0x1  }
0xd: {  	s31 =	sor.u32 $0x100, s2;
	s0 =	sadd.s32 s5, s0;
	s7 =	sshrl.u32 s7, $0x3  }
0xe: {  	s5 =	sadd.s32 s6, s1;
	s30 =	sadd.s32 s15, s7;
	s7 =	sadd.s32 s14, s7  }
0xf: {  	s8 =	sadd.s32 $0x8E800, s0;
	s10 =	sadd.s32 $0x4000, s5;
	s11 =	sadd.s32 $0x8000, s5  }
0x10: {  	s0 =	sshrl.u32 s31, $0x3;
	s12 =	sadd.s32 $0xC000, s5;
	s13 =	sadd.s32 $0x10000, s5  }
0x11: {  	v0 =	vimm.f32 $0.0e+00;
	[dreg:$0x3] =	wrdreg s30;
	s14 =	sadd.s32 s0, s14;
	s15 =	sadd.s32 s0, s15  }
.LBB2_1:
0x12: {  	s0 =	simm.s32 $0x0;
	s24 =	simm.s32 $0x200  }
.LBB2_2:
0x13: {  	p0 =	sne.s32 s24, $0xFE00;
	[tilespmem:s0+$0x16070] =	vst v0  }
0x14: {  	[tilespmem:s0+$0x16000] =	vst v0  }
0x15: {  	[tilespmem:s0+$0x16010] =	vst v0  }
.Ltmp0:
0x16: {  	[tilespmem:s0+$0x16020] =	vst v0;
	(pc) =	sbr.rel @p0 .LBB2_2-.Ltmp0, $4  }
0x17: {  	[tilespmem:s0+$0x16030] =	vst v0  }
0x18: {  	[tilespmem:s0+$0x16040] =	vst v0  }
0x19: {  	[tilespmem:s0+$0x16050] =	vst v0  }
0x1a: {  	[tilespmem:s0+$0x16060] =	vst v0;
	s0 =	sshra.s32 s24, $0x2;
	s24 =	sadd.s32 $0x200, s24  }
0x1b: {  	[tilespmem:s0+$0x16070] =	vst v0  }
0x1c: {  	[tilespmem:s0+$0x16000] =	vst v0  }
0x1d: {  	[tilespmem:s0+$0x16010] =	vst v0  }
0x1e: {  	[tilespmem:s0+$0x16020] =	vst v0  }
0x1f: {  	[tilespmem:s0+$0x16030] =	vst v0  }
0x20: {  	[tilespmem:s0+$0x16040] =	vst v0  }
0x21: {  	[tilespmem:s0+$0x16050] =	vst v0  }
0x22: {  	[tilespmem:s0+$0x16060] =	vst v0  }
0x23: {  	[spmem:s5] =	stream.linear.scatter [tilespmem:s16], [sflag:$0x3], $0x4000, $0x38;
	[tilespmem:$0x1E000] =	vst v63  }
0x24: {  	_ =	swait.ge [sflag:s17], $0x4000  }
0x25: {  	[sflag:s17] =	ssyncset.done $0x0  }
0x26: {  	[sflag:s17] =	ssyncadd.s32 $0xFFFFC000  }
0x27: {  	[spmem:s10] =	stream.linear.scatter [tilespmem:s16], [sflag:$0x3], $0x4000, $0x38;
	[tilespmem:$0x1E000] =	vst v63  }
0x28: {  	_ =	swait.ge [sflag:s17], $0x4000  }
0x29: {  	[sflag:s17] =	ssyncset.done $0x0  }
0x2a: {  	[sflag:s17] =	ssyncadd.s32 $0xFFFFC000  }
0x2b: {  	[spmem:s11] =	stream.linear.scatter [tilespmem:s16], [sflag:$0x3], $0x4000, $0x38;
	[tilespmem:$0x1E000] =	vst v63  }
0x2c: {  	_ =	swait.ge [sflag:s17], $0x4000  }
0x2d: {  	[sflag:s17] =	ssyncset.done $0x0  }
0x2e: {  	[sflag:s17] =	ssyncadd.s32 $0xFFFFC000  }
0x2f: {  	[spmem:s12] =	stream.linear.scatter [tilespmem:s16], [sflag:$0x3], $0x4000, $0x38;
	[tilespmem:$0x1E000] =	vst v63  }
0x30: {  	_ =	swait.ge [sflag:s17], $0x4000  }
0x31: {  	[sflag:s17] =	ssyncset.done $0x0  }
0x32: {  	[sflag:s17] =	ssyncadd.s32 $0xFFFFC000  }
0x33: {  	[spmem:s13] =	stream.linear.scatter [tilespmem:s16], [sflag:$0x3], $0x4000, $0x38;
	[tilespmem:$0x1E000] =	vst v63  }
0x34: {  	_ =	swait.ge [sflag:s17], $0x4000  }
0x35: {  	[sflag:s17] =	ssyncset.done $0x0  }
0x36: {  	[sflag:s17] =	ssyncadd.s32 $0xFFFFC000  }
0x37: {  	[bflag:$0x0] =	sbarrier.arrive $0xFFFF  }
0x38: {  	s19 =	simm.s32 $0x0;
	s2 =	rddreg [dreg:$0x3]  }
0x39: {  	[tilespmem:s18], [sflag:$0x3] =	stream.linear.gather [hbm4b:s2+s19], $0x800, $0x38;
	[tilespmem:$0x1E000] =	vst v63  }
0x3a: {  	_ =	swait.ge [sflag:s17], $0x800  }
0x3b: {  	[sflag:s17] =	ssyncset.done $0x0  }
0x3c: {  	s21 =	simm.s32 $0x15000;
	s22 =	simm.s32 $0x14080;
	[sflag:s17] =	ssyncadd.s32 $0xFFFFF800  }
0x3d: {  	[tilespmem:s21], [sflag:$0x3] =	stream.linear.gather [hbm4b:s7+s19], $0x800, $0x38;
	[tilespmem:$0x1E000] =	vst v63  }
0x3e: {  	s24 =	simm.s32 $0x1A000;
	s25 =	simm.s32 $0x0;
	_ =	swait.ge [sflag:s17], $0x800  }
0x3f: {  	p0 =	por $0x0, $0x0;
	s0 =	sand.u32 $0x1, s25;
	[sflag:s17] =	ssyncset.done $0x0  }
0x40: {  	s25 =	sshll.u32 s0, $0xE;
	s2 =	simm.s32 $0x400;
	[sflag:s17] =	ssyncadd.s32 $0xFFFFF800  }
0x41: {  	[tilespmem:s16], [sflag:$0x1] =	stream.indirect.gather [hbm4b:s4+s20], $0x80, s18, s20, $0xb8;
	[tilespmem:$0x1E000] =	vst v63  }
0x42: {  	s26 =	simm.s32 $0x0;
	s25 =	sadd.s32 $0x16000, s25;
	s2 =	sand.u32 @!p0 $0x2000, s2  }
0x43: {  	[tilespmem:s24], [sflag:$0x2] =	stream.indirect.gather [hbm4b:s4+s20], $0x80, s22, s20, $0xb8;
	[tilespmem:$0x1E000] =	vst v63  }
0x44: {  	s2 =	sshrl.u32 @!p0 s2, $0x2;
	s19 =	simm.s32 $0x2;
	s24 =	sadd.s32 $0x1, s0  }
0x45: {  	s19 =	sand.u32 @!p0 $0xF, s19;
	s0 =	sand.u32 $0x3E00, s26;
	_ =	swait.ge [sflag:s24], $0x4000  }
0x46: {  	p1 =	sne.s32 @!p0 s19, $0x0;
	s0 =	sshrl.u32 s0, $0x2;
	[sflag:s24] =	ssyncset.done $0x0  }
0x47: {  	s19 =	sshll.u32 @!p0 s19, $0x7;
	s0 =	sor.u32 $0x15000, s0;
	[sflag:s24] =	ssyncadd.s32 $0xFFFFC000  }
0x48: {  	[spmem:s1] =	stream.indirect.scatter.add.f32 [tilespmem:s25], [sflag:$0x3], $0x80, s0, s20, $0xb8;
	[tilespmem:$0x1E000] =	vst v63  }
0x49: {  	p1 =	por p1, p0;
	s0 =	simm.s32 $0x100;
	_ =	swait.ge [sflag:s17], $0x4000  }
0x4a: {  	s30 =	simm.s32 @!p1 $0x0;
	s28 =	sand.u32 @!p1 $0x800, s0;
	[sflag:s17] =	ssyncset.done $0x0  }
0x4b: {  	s0 =	simm.s32 @!p1 $0x3;
	s29 =	sor.u32 @!p1 $0x14000, s28;
	[sflag:s17] =	ssyncadd.s32 $0xFFFFC000  }
0x4c: {  	[tilespmem:s29], [sflag:$0x3] =	stream.linear.gather @!p1 [hbm4b:s15+s30], $0x800, $0x38;
	[tilespmem:$0x1E000] =	vst v63  }
0x4d: {  	s2 =	sor.u32 @!p0 s19, s2;
	_ =	swait.ge @!p1 [sflag:s0], $0x800  }
0x4e: {  	s19 =	simm.s32 @!p0 $0x80;
	s2 =	sor.u32 @!p0 $0x14000, s2;
	[sflag:s0] =	ssyncset.done @!p1 $0x0  }
0x4f: {  	s26 =	simm.s32 $0x600;
	s31 =	sor.u32 @!p1 $0x15000, s28;
	[sflag:s0] =	ssyncadd.s32 @!p1 $0xFFFFF800  }
0x50: {  	[tilespmem:s31], [sflag:$0x3] =	stream.linear.gather @!p1 [hbm4b:s14+s30], $0x800, $0x38;
	[tilespmem:$0x1E000] =	vst v63  }
0x51: {  	s28 =	sadd.s32 $0x10, s14;
	s29 =	sadd.s32 $0x10, s15;
	_ =	swait.ge @!p1 [sflag:s0], $0x800  }
0x52: {  	s30 =	simm.s32 $0x180;
	s31 =	simm.s32 $0x3;
	[sflag:s0] =	ssyncset.done @!p1 $0x0  }
.LBB2_4:
0x53: {  	s21 =	sadd.s32 $0xFFFFFFFE, s31;
	[sflag:s0] =	ssyncadd.s32 @!p1 $0xFFFFF800  }
0x54: {  	s0 =	smov.u32 s26;
	s26 =	sadd.s32 $0x200, s26;
	s22 =	smov.u32 s28  }
0x55: {  	[tilespmem:s25], [sflag:s24] =	stream.indirect.gather @!p0 [hbm4b:s4+s19], $0x80, s2, s19, $0xb8;
	[tilespmem:$0x1E000] =	vst v63  }
0x56: {  	s2 =	sand.u32 $0x1, s21;
	p2 =	sne.s32 s26, $0xA400  }
0x57: {  	s19 =	sshll.u32 s2, $0xE;
	s24 =	sadd.s32 $0x1, s2;
	s2 =	sadd.s32 $0xFFFFFC00, s0  }
0x58: {  	s25 =	sadd.s32 $0x16000, s19;
	s2 =	sand.u32 $0x3E00, s2;
	_ =	swait.ge [sflag:s24], $0x4000  }
0x59: {  	p0 =	sgt.u32 s21, $0x4D;
	s2 =	sshrl.u32 s2, $0x2;
	[sflag:s24] =	ssyncset.done $0x0  }
0x5a: {  	s19 =	sand.u32 @!p0 $0xF, s31;
	s2 =	sor.u32 $0x15000, s2;
	[sflag:s24] =	ssyncadd.s32 $0xFFFFC000  }
0x5b: {  	[spmem:s1] =	stream.indirect.scatter.add.f32 [tilespmem:s25], [sflag:$0x3], $0x80, s2, s20, $0xb8;
	[tilespmem:$0x1E000] =	vst v63  }
0x5c: {  	s0 =	sand.u32 @!p0 $0x2000, s0;
	p1 =	sne.s32 @!p0 s19, $0x0;
	_ =	swait.ge [sflag:s17], $0x4000  }
0x5d: {  	p1 =	por p1, p0;
	s2 =	sshrl.u32 @!p0 s0, $0x2;
	[sflag:s17] =	ssyncset.done $0x0  }
0x5e: {  	s21 =	sand.u32 @!p1 $0x800, s30;
	s3 =	simm.s32 @!p1 $0x0;
	[sflag:s17] =	ssyncadd.s32 $0xFFFFC000  }
0x5f: {  	s6 =	sor.u32 @!p1 $0x14000, s21;
	s0 =	simm.s32 @!p1 $0x3;
	s21 =	sor.u32 @!p1 $0x15000, s21  }
0x60: {  	[tilespmem:s6], [sflag:$0x3] =	stream.linear.gather @!p1 [hbm4b:s29+s3], $0x800, $0x38;
	[tilespmem:$0x1E000] =	vst v63  }
0x61: {  	s6 =	sshll.u32 @!p0 s19, $0x7;
	_ =	swait.ge @!p1 [sflag:s0], $0x800  }
.Ltmp1:
0x62: {  	s2 =	sor.u32 @!p0 s6, s2;
	[sflag:s0] =	ssyncset.done @!p1 $0x0;
	(pc) =	sbr.rel @p2 .LBB2_4-.Ltmp1, $4  }
0x63: {  	s28 =	sadd.s32 $0x10, s28;
	s29 =	sadd.s32 $0x10, s29;
	[sflag:s0] =	ssyncadd.s32 @!p1 $0xFFFFF800  }
0x64: {  	[tilespmem:s21], [sflag:$0x3] =	stream.linear.gather @!p1 [hbm4b:s22+s3], $0x800, $0x38;
	[tilespmem:$0x1E000] =	vst v63  }
0x65: {  	s31 =	sadd.s32 $0x1, s31;
	s30 =	sadd.s32 $0x80, s30;
	_ =	swait.ge @!p1 [sflag:s0], $0x800  }
0x66: {  	s19 =	simm.s32 @!p0 $0x80;
	s2 =	sor.u32 @!p0 $0x14000, s2;
	[sflag:s0] =	ssyncset.done @!p1 $0x0  }
0x67: {  	[sflag:s0] =	ssyncadd.s32 @!p1 $0xFFFFF800;
	s30 =	stileid.u32;
	s23 =	sadd.s32 $0x1, s23  }
0x68: {  	[tilespmem:s25], [sflag:s24] =	stream.indirect.gather @!p0 [hbm4b:s4+s19], $0x80, s2, s19, $0xb8;
	[tilespmem:$0x1E000] =	vst v63  }
0x69: {  	s31 =	sshrl.u32 s5, $0x3;
	s0 =	sshll.u32 s30, $0x6;
	p0 =	sne.s32 s23, s9  }
.Ltmp2:
0x6a: {  	[bflag:$0x0] =	sbarrier.arrive $0xFFFF;
	s0 =	sor.u32 $0x1C03, s0;
	(pc) =	sbr.rel @p0 .LBB2_1-.Ltmp2, $4  }
0x6b: {  	[hbm:s8], [sflag:s0] =	dma.local [spmem:s31], $0x2800  }
0x6c: {  	_ =	swait.ge [sflag:s17], $0x2800  }
0x6d: {  	[sflag:s17] =	ssyncset.done $0x0  }
0x6e: {  	[sflag:s17] =	ssyncadd.s32 $0xFFFFD800  }
0x6f: {  	_ =	sfence.sel $0x180000  }
0x70: {  	[bflag:$0x0] =	sbarrier.arrive $0xFFFF  }
0x71: {  	_ =	strace $0x9000004D  }
0x72: {  	s0 =	stileid.u32;
	[bflag:$0x2] =	sbarrier.arrive $0xFFFF  }
0x73: {  	p0 =	sne.s32 s0, $0x0;
	s0 =	rddreg [dreg:$0x2]  }
0x74: {  	s0 =	sadd.s32 @!p0 $0x100000, s0  }
0x75: {  	[sflag:s0] =	ssyncadd.tile.s32 @!p0 $0x1;
	_ =	shalt  }
.Lfunc_end2:
_tile_overlayer_lowered:
.L_overlay_start_2:
0x76: {  	(tag) =	ssettag $0x2  }
0x77: {  	s0 =	rddreg [dreg:$0x0];
	s2 =	stileid.u32  }
0x78: {  	s1 =	rddreg [dreg:$0x1];
	p0 =	sne.s32 s2, $0x0  }
0x79: {  	s3 =	rddreg [dreg:$0x2];
	[bflag:$0x3] =	sbarrier.arrive $0xFFFF;
	s2 =	simm.s32 @!p0 $0x1C03  }
0x7a: {  	[timem:s3], [sflag:s2] =	dma.local @!p0 [hbm:s0], s1  }
0x7b: {  	s0 =	simm.s32 @!p0 $0x3  }
0x7c: {  	_ =	swait.ge @!p0 [sflag:s0], s1  }
0x7d: {  	s1 =	ssub.s32 @!p0 $0x0, s1;
	[sflag:s0] =	ssyncset.done @!p0 $0x0  }
0x7e: {  	[sflag:s0] =	ssyncadd.s32 @!p0 s1  }
0x7f: {  	[bflag:$0x3] =	sbarrier.arrive $0xFFFF  }
0x80: {  	_ =	shalt  }

// kernel: kernel.9.cloned.1.call-start
scs
__scs_entry_jumppad:
0x0: {  	(pc) =	sbr.rel $0x88, $3  }
0x1: {  	(tag) =	ssettag $0x0;
	lr =	simm.s32 $0x1  }
0x2: {  	[smem:$0x3F9B] =	sst lr;
	_ =	strace $0xD0000000  }
0x3: {  	_ = 	snop  }
0x4: {  	_ = 	snop  }
0x5: {  	_ = 	snop  }
0x6: {  	_ = 	snop  }
0x7: {  	_ = 	snop  }
__scs_overlays_trampoline_lowered:
0x8: {  	[smem:$0x3FAA] =	sst s0  }
0x9: {  	[smem:$0x3FAB] =	sst s1  }
0xa: {  	[smem:$0x3FAC] =	sst s2  }
0xb: {  	[smem:$0x3FAD] =	sst s3  }
0xc: {  	[smem:$0x3FAE] =	sst s4  }
0xd: {  	[smem:$0x3FAF] =	sst s5  }
0xe: {  	[smem:$0x3FB0] =	sst s6  }
0xf: {  	[smem:$0x3FB1] =	sst s7  }
0x10: {  	[smem:$0x3FB2] =	sst s8  }
0x11: {  	[smem:$0x3FB3] =	sst s9;
	s0 =	simm.s32 @!p0 $0x0  }
0x12: {  	s1 =	sld [smem:$0x3F99];
	s0 =	simm.s32 @p0 $0x1  }
0x13: {  	[smem:$0x3FB4] =	sst s0;
	s0 =	simm.s32 @!p1 $0x0  }
0x14: {  	s2 =	sld [smem:$0x3F98];
	s0 =	simm.s32 @p1 $0x1  }
0x15: {  	[smem:$0x3FB5] =	sst s0;
	s0 =	simm.s32 @!p2 $0x0  }
0x16: {  	s3 =	sld [smem:$0x3FDB];
	s0 =	simm.s32 @p2 $0x1  }
0x17: {  	s4 =	simm.s32 $0x1BF5;
	[smem:$0x3FB7] =	sst s0  }
0x18: {  	s0 =	sld [smem:$0x3F9A];
	_ =	swait.ge [sflag:s4], $0x0  }
0x19: {  	s7 =	sld [smem:$0x3F9B]  }
0x1a: {  	s8 =	sadd.s32 $0xFFFFE003, lr  }
0x1b: {  	s9 =	sadd.s32 $0xFFFFFEF7, lr;
	s5 =	simm.s32 $0xFFFFFFFF;
	p2 =	slt.u32 s8, $0xFFFFF086  }
0x1c: {  	p1 =	slt.u32 s9, $0xF7A;
	s5 =	simm.s32 @!p2 $0x0  }
0x1d: {  	s5 =	simm.s32 @p1 $0x1;
	p0 =	seq.s32 s7, s2  }
0x1e: {  	s7 =	smul.u32 @!p0 $0xF7A, s2;
	p2 =	seq.s32 @!p0 s5, $0x0  }
0x1f: {  	s9 =	smul.u32 $0xF7A, s1;
	s8 =	simm.s32 @!p0 $0x1BF5;
	p2 =	por !p2, p0  }
0x20: {  	[sflag:s8] =	ssyncset.s32 @!p0 $0xFFFFF086;
	s6 =	sadd.s32 @!p0 s3, s7;
	s7 =	simm.s32 @!p0 $0x108  }
0x21: {  	s3 =	sadd.s32 s3, s9;
	s6 =	sadd.s32 @!p0 $0x88, s6;
	s7 =	simm.s32 @p2 $0x1082  }
0x22: {  	[simem:s7], [sflag:s8] =	dma.local @!p0 [hbm:s6], $0xF7A  }
0x23: {  	s9 =	sor.u32 $0xD0000000, s2;
	s6 =	simm.s32 $0x108;
	_ =	swait.ge @!p0 [sflag:s8], $0x0  }
0x24: {  	s3 =	sadd.s32 $0x88, s3;
	s6 =	simm.s32 @!p1 $0x1082;
	[sflag:s4] =	ssyncset.s32 $0xFFFFF086  }
0x25: {  	[simem:s6], [sflag:s4] =	dma.local [hbm:s3], $0xF7A  }
0x26: {  	[smem:$0x3F9B] =	sst s1;
	(tag) =	ssettag s2;
	_ =	strace s9  }
0x27: {  	s1 =	sld [smem:$0x3FAB]  }
0x28: {  	s2 =	sld [smem:$0x3FAC]  }
0x29: {  	s4 =	sld [smem:$0x3FAE]  }
0x2a: {  	p0 =	seq.s32 s5, $0x0;
	s5 =	sld [smem:$0x3FAF]  }
0x2b: {  	s6 =	sld [smem:$0x3FB0]  }
0x2c: {  	s7 =	sld [smem:$0x3FB1]  }
0x2d: {  	s3 =	simm.s32 $0x108;
	s8 =	sld [smem:$0x3FB2]  }
0x2e: {  	s3 =	simm.s32 @!p0 $0x1082;
	s9 =	sld [smem:$0x3FB3]  }
0x2f: {  	lr =	sadd.s32 s0, s3;
	s0 =	sld [smem:$0x3FAA]  }
0x30: {  	s3 =	sld [smem:$0x3FAD]  }
0x31: {  	[smem:$0x3FB6] =	sst s10  }
0x32: {  	s10 =	sld [smem:$0x3FB4];
	_ =	sdelay $0x3  }
0x33: {  	p0 =	seq.s32 s10, $0x1;
	s10 =	sld [smem:$0x3FB6];
	_ =	sdelay $0x3  }
0x34: {  	[smem:$0x3FB6] =	sst s10  }
0x35: {  	s10 =	sld [smem:$0x3FB5];
	_ =	sdelay $0x3  }
0x36: {  	p1 =	seq.s32 s10, $0x1;
	s10 =	sld [smem:$0x3FB6];
	_ =	sdelay $0x3  }
0x37: {  	[smem:$0x3FB6] =	sst s10  }
0x38: {  	s10 =	sld [smem:$0x3FB7]  }
0x39: {  	_ = 	snop;
	(pc) =	sbr.ind lr, $3  }
0x3a: {  	_ = 	snop  }
0x3b: {  	_ = 	snop  }
0x3c: {  	p2 =	seq.s32 s10, $0x1;
	s10 =	sld [smem:$0x3FB6]  }
0x3d: {  	_ =	shalt  }
0x3e: {  	_ =	shalt  }
0x3f: {  	_ =	shalt  }
0x40: {  	_ =	shalt  }
0x41: {  	_ =	shalt  }
0x42: {  	_ =	shalt  }
0x43: {  	_ =	shalt  }
0x44: {  	_ =	shalt  }
0x45: {  	_ =	shalt  }
0x46: {  	_ =	shalt  }
0x47: {  	_ =	shalt  }
0x48: {  	_ =	shalt  }
0x49: {  	_ =	shalt  }
0x4a: {  	_ =	shalt  }
0x4b: {  	_ =	shalt  }
0x4c: {  	_ =	shalt  }
0x4d: {  	_ =	shalt  }
0x4e: {  	_ =	shalt  }
0x4f: {  	_ =	shalt  }
0x50: {  	_ =	shalt  }
0x51: {  	_ =	shalt  }
0x52: {  	_ =	shalt  }
0x53: {  	_ =	shalt  }
0x54: {  	_ =	shalt  }
0x55: {  	_ =	shalt  }
0x56: {  	_ =	shalt  }
0x57: {  	_ =	shalt  }
0x58: {  	_ =	shalt  }
0x59: {  	_ =	shalt  }
0x5a: {  	_ =	shalt  }
0x5b: {  	_ =	shalt  }
0x5c: {  	_ =	shalt  }
0x5d: {  	_ =	shalt  }
0x5e: {  	_ =	shalt  }
0x5f: {  	_ =	shalt  }
0x60: {  	_ =	shalt  }
0x61: {  	_ =	shalt  }
0x62: {  	_ =	shalt  }
0x63: {  	_ =	shalt  }
0x64: {  	_ =	shalt  }
0x65: {  	_ =	shalt  }
0x66: {  	_ =	shalt  }
0x67: {  	_ =	shalt  }
0x68: {  	_ =	shalt  }
0x69: {  	_ =	shalt  }
0x6a: {  	_ =	shalt  }
0x6b: {  	_ =	shalt  }
0x6c: {  	_ =	shalt  }
0x6d: {  	_ =	shalt  }
0x6e: {  	_ =	shalt  }
0x6f: {  	_ =	shalt  }
0x70: {  	_ =	shalt  }
0x71: {  	_ =	shalt  }
0x72: {  	_ =	shalt  }
0x73: {  	_ =	shalt  }
0x74: {  	_ =	shalt  }
0x75: {  	_ =	shalt  }
0x76: {  	_ =	shalt  }
0x77: {  	_ =	shalt  }
0x78: {  	_ =	shalt  }
0x79: {  	_ =	shalt  }
0x7a: {  	_ =	shalt  }
0x7b: {  	_ =	shalt  }
0x7c: {  	_ =	shalt  }
0x7d: {  	_ =	shalt  }
0x7e: {  	_ =	shalt  }
0x7f: {  	_ =	shalt  }
0x80: {  	_ =	shalt  }
0x81: {  	_ =	shalt  }
0x82: {  	_ =	shalt  }
0x83: {  	_ =	shalt  }
0x84: {  	_ =	shalt  }
0x85: {  	_ =	shalt  }
0x86: {  	_ =	shalt  }
0x87: {  	_ =	shalt  }
.Lfunc_end0:
.L_simem_size_0:
called_computation_lowered:
.L_overlay_start_0:
0x88: {  	s2 =	sld [smem:$0x3FD9]  }
0x89: {  	s3 =	sld [smem:$0x3FFE];
	_ =	sdelay $0x1  }
0x8a: {  	s1 =	srdreg.scid  }
0x8b: {  	s0 =	sand.u32 $0x1, s1  }
0x8c: {  	s16 =	sshll.u32 s0, $0xA;
	s2 =	sadd.s32 s3, s2  }
0x8d: {  	s2 =	sadd.s32 s2, s16  }
0x8e: {  	[smem:$0x3FC2] =	sst s2  }
0x8f: {  	_ = 	snop  }
0x90: {  	(tm) =	ssettm $0x1  }
0x91: {  	s17 =	sld [smem:$0x3FFB];
	_ =	sdelay $0x3  }
0x92: {  	_ =	strace s17  }
0x93: {  	s2 =	sld [smem:$0x3FFC];
	_ =	sdelay $0x3  }
0x94: {  	_ =	strace s2  }
0x95: {  	s2 =	sld [smem:$0x3FFD];
	_ =	sdelay $0x3  }
0x96: {  	_ =	strace s2  }
0x97: {  	_ =	strace $0x8FFFFFFF  }
0x98: {  	s18 =	sld [smem:$0x3FDB];
	_ =	sdelay $0x1  }
0x99: {  	s19 =	simm.s32 $_scs_section_size  }
0x9a: {  	s4 =	simm.s32 $_size__tile_overlayer_lowered;
	s5 =	simm.s32 $_tile_overlayer_lowered  }
0x9b: {  	s22 =	simm.s32 $0x1BFF;
	s21 =	sshll.u32 s5, $0x1;
	s2 =	sadd.s32 s19, s18  }
0x9c: {  	s6 =	simm.s32 $0x0;
	s20 =	sshll.u32 s4, $0x1;
	s4 =	sadd.s32 s21, s2  }
0x9d: {  	[timem:s6], [sflag:s22] =	dma.local [hbm:s4], s20  }
0x9e: {  	_ =	swait.ge [sflag:s22], s20  }
0x9f: {  	s3 =	ssub.s32 $0x0, s20;
	[sflag:s22] =	ssyncset.done $0x0  }
0xa0: {  	[sflag:s22] =	ssyncadd.s32 s3;
	_ =	sdelay $0x1  }
0xa1: {  	s23 =	simm.s32 $0x1B8B  }
0xa2: {  	_ =	swait.ge [sflag:s23], $0x1  }
0xa3: {  	[sflag:s23] =	ssyncset.done $0x0  }
0xa4: {  	s25 =	simm.s32 $0x1B8E;
	s24 =	sld [smem:$0x3FFE];
	[sflag:s23] =	ssyncadd.s32 $0xFFFFFFFF  }
0xa5: {  	s26 =	simm.s32 $execute0_lowered;
	[smem:$0x3FD2] =	sst s25  }
0xa6: {  	s4 =	sshll.u32 s26, $0x1;
	_ =	strace $0x80000046;
	[dreg:$0x1] =	wrdreg $0xFFFFFFFF  }
0xa7: {  	s28 =	simm.s32 $_size_execute0_lowered;
	s2 =	sadd.s32 s2, s4;
	[dreg:$0x0] =	wrdreg $0x0  }
0xa8: {  	s4 =	sshll.u32 s28, $0x1;
	[dreg:$0x2] =	wrdreg s2  }
0xa9: {  	[dreg:$0x3] =	wrdreg s4  }
0xaa: {  	[dreg:$0x4] =	wrdreg $0xC0  }
0xab: {  	_ =	task [dreg:s6], $0x5FFFF  }
0xac: {  	[dreg:$0x1] =	wrdreg $0xFFFFFFFF  }
0xad: {  	[dreg:$0x0] =	wrdreg $0x60  }
0xae: {  	[dreg:$0x2] =	wrdreg s24  }
0xaf: {  	[dreg:$0x3] =	wrdreg $0x0  }
0xb0: {  	[dreg:$0x4] =	wrdreg $0x9  }
0xb1: {  	_ =	task.clear_ibuf [dreg:s6], $0x5FFFF;
	_ =	strace $0x90000046  }
0xb2: {  	s29 =	simm.s32 $0x9;
	_ =	strace $0x80000048  }
0xb3: {  	_ =	swait.ge [sflag:s29], $0x1  }
0xb4: {  	[sflag:s29] =	ssyncadd.s32 $0xFFFFFFFF  }
0xb5: {  	_ =	strace $0x90000048  }
0xb6: {  	_ =	sfence  }
0xb7: {  	s30 =	sld [smem:$0x0];
	_ =	sdelay $0x2  }
0xb8: {  	s31 =	sshll.u32 s1, $0xD;
	s1 =	sshrl.u32 s1, $0x2  }
0xb9: {  	s3 =	sand.u32 $0x4000, s31;
	s1 =	sadd.s32 s1, s30  }
0xba: {  	s0 =	sor.u32 s3, s0;
	s1 =	sshll.u32 s1, $0x11  }
0xbb: {  	s0 =	sor.u32 s1, s0  }
0xbc: {  	s0 =	sadd.s32 $0x8F2B, s0  }
0xbd: {  	[sflag:s0] =	ssyncadd.remote.s32 $0x1  }
0xbe: {  	_ =	sfence.sel $0xFFFF  }
0xbf: {  	[dreg:$0x0] =	wrdreg $0xFFFFFFFF;
	(pc) =	sbr.abs _section_cstart, $3  }
0xc0: {  	[dreg:$0x1] =	wrdreg $0xFFFFFFFF  }
0xc1: {  	_ =	task.clear_ibuf [dreg:s6], $0x2FFFF;
	_ =	strace $0x9FFFFFFF  }
0xc2: {  	(tm) =	ssettm $0x7FFFFFFF  }
0xc3: {  	_ =	shalt  }
tec
execute0_lowered:
.L_overlay_start_1:
0x0: {  	(tag) =	ssettag $0x1  }
0x1: {  	s4 =	rddreg [dreg:$0x0]  }
0x2: {  	s0 =	srdreg.scid;
	s2 =	rddreg [dreg:$0x1]  }
0x3: {  	s1 =	rddreg [dreg:$0x2];
	s3 =	simm.s32 $0x0;
	s12 =	simm.s32 $0x18400  }
0x4: {  	s13 =	simm.s32 $0x1;
	s14 =	simm.s32 $0x14000;
	s15 =	simm.s32 $0x80  }
0x5: {  	s16 =	simm.s32 $0x14400;
	s17 =	simm.s32 $0x14080;
	s5 =	sand.u32 $0x1, s0  }
0x6: {  	s18 =	simm.s32 $0x14100;
	s0 =	stileid.u32;
	s6 =	smul.u32 $0x28000, s5  }
0x7: {  	s19 =	simm.s32 $0x14180;
	s20 =	simm.s32 $0x14200;
	s7 =	smul.u32 $0x2800, s0  }
0x8: {  	s21 =	simm.s32 $0x14280;
	s22 =	simm.s32 $0x14300;
	s8 =	smul.u32 $0x140000, s5  }
0x9: {  	s23 =	simm.s32 $0x14380;
	[smem:$0x7FF] =	sst s3;
	s26 =	smul.u32 $0x14000, s0  }
0xa: {  	s24 =	simm.s32 $0x0;
	_ =	strace $0x80000047;
	s5 =	ssub.s32 $0x2, s5  }
0xb: {  	s28 =	smul.u32 $0x50000, s0;
	s6 =	sadd.s32 s7, s6;
	s7 =	sadd.s32 s26, s8  }
0xc: {  	s30 =	sshrl.u32 s5, $0x1;
	s6 =	sshrl.u32 s6, $0x3;
	s29 =	sshrl.u32 s7, $0x3  }
0xd: {  	s31 =	sshrl.u32 s28, $0x2;
	s11 =	sadd.s32 s6, s4;
	s6 =	sadd.s32 s29, s4  }
0xe: {  	s7 =	ssub.s32 s5, s30;
	s4 =	sadd.s32 s31, s2;
	s5 =	sadd.s32 $0x16800, s6  }
0xf: {  	s6 =	smax.u32 s7, $0x1;
	s7 =	sadd.s32 $0x4000, s4;
	s8 =	sadd.s32 $0x8000, s4  }
0x10: {  	v0 =	vimm.f32 $1.000000000e+00;
	v1 =	vimm.f32 $0.0e+00;
	s9 =	sadd.s32 $0xC000, s4;
	s10 =	sadd.s32 $0x10000, s4;
	s11 =	sadd.s32 $0x2800, s11  }
.LBB2_1:
0x11: {  	s25 =	simm.s32 $0x0;
	s26 =	simm.s32 $0x200  }
.LBB2_2:
0x12: {  	p0 =	sne.s32 s26, $0xFE00;
	[tilespmem:s25+$0x14470] =	vst v0  }
0x13: {  	[tilespmem:s25+$0x14400] =	vst v0  }
0x14: {  	[tilespmem:s25+$0x14410] =	vst v0  }
.Ltmp0:
0x15: {  	[tilespmem:s25+$0x14420] =	vst v0;
	(pc) =	sbr.rel @p0 .LBB2_2-.Ltmp0, $4  }
0x16: {  	[tilespmem:s25+$0x14430] =	vst v0  }
0x17: {  	[tilespmem:s25+$0x14440] =	vst v0  }
0x18: {  	[tilespmem:s25+$0x14450] =	vst v0  }
0x19: {  	[tilespmem:s25+$0x14460] =	vst v0;
	s25 =	sshra.s32 s26, $0x2;
	s26 =	sadd.s32 $0x200, s26  }
0x1a: {  	[tilespmem:s25+$0x14470] =	vst v0  }
0x1b: {  	[tilespmem:s25+$0x14400] =	vst v0  }
0x1c: {  	[tilespmem:s25+$0x14410] =	vst v0  }
0x1d: {  	[tilespmem:s25+$0x14420] =	vst v0  }
0x1e: {  	[tilespmem:s25+$0x14430] =	vst v0  }
0x1f: {  	[tilespmem:s25+$0x14440] =	vst v0  }
0x20: {  	[tilespmem:s25+$0x14450] =	vst v0  }
0x21: {  	[tilespmem:s25+$0x14460] =	vst v0;
	s25 =	simm.s32 $0x0;
	s26 =	simm.s32 $0x200  }
.LBB2_4:
0x22: {  	p0 =	sne.s32 s26, $0xFE00;
	[tilespmem:s25+$0x18470] =	vst v1  }
0x23: {  	[tilespmem:s25+$0x18400] =	vst v1  }
0x24: {  	[tilespmem:s25+$0x18410] =	vst v1  }
.Ltmp1:
0x25: {  	[tilespmem:s25+$0x18420] =	vst v1;
	(pc) =	sbr.rel @p0 .LBB2_4-.Ltmp1, $4  }
0x26: {  	[tilespmem:s25+$0x18430] =	vst v1  }
0x27: {  	[tilespmem:s25+$0x18440] =	vst v1  }
0x28: {  	[tilespmem:s25+$0x18450] =	vst v1  }
0x29: {  	[tilespmem:s25+$0x18460] =	vst v1;
	s25 =	sshra.s32 s26, $0x2;
	s26 =	sadd.s32 $0x200, s26  }
0x2a: {  	[tilespmem:s25+$0x18470] =	vst v1  }
0x2b: {  	[tilespmem:s25+$0x18400] =	vst v1  }
0x2c: {  	[tilespmem:s25+$0x18410] =	vst v1  }
0x2d: {  	[tilespmem:s25+$0x18420] =	vst v1  }
0x2e: {  	[tilespmem:s25+$0x18430] =	vst v1  }
0x2f: {  	[tilespmem:s25+$0x18440] =	vst v1  }
0x30: {  	[tilespmem:s25+$0x18450] =	vst v1  }
0x31: {  	[tilespmem:s25+$0x18460] =	vst v1  }
0x32: {  	[spmem:s4] =	stream.linear.scatter [tilespmem:s12], [sflag:$0x1], $0x4000, $0x38;
	[tilespmem:$0x1C400] =	vst v63  }
0x33: {  	_ =	swait.ge [sflag:s13], $0x4000  }
0x34: {  	[sflag:s13] =	ssyncset.done $0x0  }
0x35: {  	[sflag:s13] =	ssyncadd.s32 $0xFFFFC000  }
0x36: {  	[spmem:s7] =	stream.linear.scatter [tilespmem:s12], [sflag:$0x1], $0x4000, $0x38;
	[tilespmem:$0x1C400] =	vst v63  }
0x37: {  	_ =	swait.ge [sflag:s13], $0x4000  }
0x38: {  	[sflag:s13] =	ssyncset.done $0x0  }
0x39: {  	[sflag:s13] =	ssyncadd.s32 $0xFFFFC000  }
0x3a: {  	[spmem:s8] =	stream.linear.scatter [tilespmem:s12], [sflag:$0x1], $0x4000, $0x38;
	[tilespmem:$0x1C400] =	vst v63  }
0x3b: {  	_ =	swait.ge [sflag:s13], $0x4000  }
0x3c: {  	[sflag:s13] =	ssyncset.done $0x0  }
0x3d: {  	[sflag:s13] =	ssyncadd.s32 $0xFFFFC000  }
0x3e: {  	[spmem:s9] =	stream.linear.scatter [tilespmem:s12], [sflag:$0x1], $0x4000, $0x38;
	[tilespmem:$0x1C400] =	vst v63  }
0x3f: {  	_ =	swait.ge [sflag:s13], $0x4000  }
0x40: {  	[sflag:s13] =	ssyncset.done $0x0  }
0x41: {  	[sflag:s13] =	ssyncadd.s32 $0xFFFFC000  }
0x42: {  	[spmem:s10] =	stream.linear.scatter [tilespmem:s12], [sflag:$0x1], $0x4000, $0x38;
	[tilespmem:$0x1C400] =	vst v63  }
0x43: {  	_ =	swait.ge [sflag:s13], $0x4000  }
0x44: {  	[sflag:s13] =	ssyncset.done $0x0  }
0x45: {  	[sflag:s13] =	ssyncadd.s32 $0xFFFFC000  }
0x46: {  	s31 =	sadd.s32 $0x0, s11;
	[bflag:$0x0] =	sbarrier.arrive $0xFFFF  }
0x47: {  	[tilespmem:s14], [sflag:$0x1] =	stream.linear.gather [hbm4b:s31+s3], $0x400, $0x38;
	[tilespmem:$0x1C400] =	vst v63  }
0x48: {  	_ =	swait.ge [sflag:s13], $0x400  }
0x49: {  	[sflag:s13] =	ssyncset.done $0x0  }
0x4a: {  	[sflag:s13] =	ssyncadd.s32 $0xFFFFFC00  }
0x4b: {  	[spmem:s2] =	stream.indirect.scatter.add.f32 [tilespmem:s16], [sflag:$0x1], $0x80, s14, s15, $0xb8;
	[tilespmem:$0x1C400] =	vst v63  }
0x4c: {  	_ =	swait.ge [sflag:s13], $0x4000  }
0x4d: {  	[sflag:s13] =	ssyncset.done $0x0  }
0x4e: {  	[sflag:s13] =	ssyncadd.s32 $0xFFFFC000  }
0x4f: {  	[spmem:s2] =	stream.indirect.scatter.add.f32 [tilespmem:s16], [sflag:$0x1], $0x80, s17, s15, $0xb8;
	[tilespmem:$0x1C400] =	vst v63  }
0x50: {  	_ =	swait.ge [sflag:s13], $0x4000  }
0x51: {  	[sflag:s13] =	ssyncset.done $0x0  }
0x52: {  	[sflag:s13] =	ssyncadd.s32 $0xFFFFC000  }
0x53: {  	[spmem:s2] =	stream.indirect.scatter.add.f32 [tilespmem:s16], [sflag:$0x1], $0x80, s18, s15, $0xb8;
	[tilespmem:$0x1C400] =	vst v63  }
0x54: {  	_ =	swait.ge [sflag:s13], $0x4000  }
0x55: {  	[sflag:s13] =	ssyncset.done $0x0  }
0x56: {  	[sflag:s13] =	ssyncadd.s32 $0xFFFFC000  }
0x57: {  	[spmem:s2] =	stream.indirect.scatter.add.f32 [tilespmem:s16], [sflag:$0x1], $0x80, s19, s15, $0xb8;
	[tilespmem:$0x1C400] =	vst v63  }
0x58: {  	_ =	swait.ge [sflag:s13], $0x4000  }
0x59: {  	[sflag:s13] =	ssyncset.done $0x0  }
0x5a: {  	[sflag:s13] =	ssyncadd.s32 $0xFFFFC000  }
0x5b: {  	[spmem:s2] =	stream.indirect.scatter.add.f32 [tilespmem:s16], [sflag:$0x1], $0x80, s20, s15, $0xb8;
	[tilespmem:$0x1C400] =	vst v63  }
0x5c: {  	_ =	swait.ge [sflag:s13], $0x4000  }
0x5d: {  	[sflag:s13] =	ssyncset.done $0x0  }
0x5e: {  	[sflag:s13] =	ssyncadd.s32 $0xFFFFC000  }
0x5f: {  	[spmem:s2] =	stream.indirect.scatter.add.f32 [tilespmem:s16], [sflag:$0x1], $0x80, s21, s15, $0xb8;
	[tilespmem:$0x1C400] =	vst v63  }
0x60: {  	_ =	swait.ge [sflag:s13], $0x4000  }
0x61: {  	[sflag:s13] =	ssyncset.done $0x0  }
0x62: {  	[sflag:s13] =	ssyncadd.s32 $0xFFFFC000  }
0x63: {  	[spmem:s2] =	stream.indirect.scatter.add.f32 [tilespmem:s16], [sflag:$0x1], $0x80, s22, s15, $0xb8;
	[tilespmem:$0x1C400] =	vst v63  }
0x64: {  	_ =	swait.ge [sflag:s13], $0x4000  }
0x65: {  	[sflag:s13] =	ssyncset.done $0x0  }
0x66: {  	[sflag:s13] =	ssyncadd.s32 $0xFFFFC000  }
0x67: {  	[spmem:s2] =	stream.indirect.scatter.add.f32 [tilespmem:s16], [sflag:$0x1], $0x80, s23, s15, $0xb8;
	[tilespmem:$0x1C400] =	vst v63  }
0x68: {  	_ =	swait.ge [sflag:s13], $0x4000  }
0x69: {  	s25 =	simm.s32 $0x80;
	s28 =	simm.s32 $0x100;
	[sflag:s13] =	ssyncset.done $0x0  }
.LBB2_6:
0x6a: {  	s29 =	sadd.s32 s25, s11  }
0x6b: {  	[sflag:s13] =	ssyncadd.s32 $0xFFFFC000;
	s25 =	smov.u32 s28;
	s26 =	sadd.s32 $0x80, s28  }
0x6c: {  	[tilespmem:s14], [sflag:$0x1] =	stream.linear.gather [hbm4b:s29+s3], $0x400, $0x38;
	[tilespmem:$0x1C400] =	vst v63  }
0x6d: {  	p0 =	sne.s32 s28, $0x480;
	_ =	swait.ge [sflag:s13], $0x400  }
0x6e: {  	[sflag:s13] =	ssyncset.done $0x0  }
0x6f: {  	[sflag:s13] =	ssyncadd.s32 $0xFFFFFC00  }
0x70: {  	[spmem:s2] =	stream.indirect.scatter.add.f32 [tilespmem:s16], [sflag:$0x1], $0x80, s14, s15, $0xb8;
	[tilespmem:$0x1C400] =	vst v63  }
0x71: {  	_ =	swait.ge [sflag:s13], $0x4000  }
0x72: {  	[sflag:s13] =	ssyncset.done $0x0  }
0x73: {  	[sflag:s13] =	ssyncadd.s32 $0xFFFFC000  }
0x74: {  	[spmem:s2] =	stream.indirect.scatter.add.f32 [tilespmem:s16], [sflag:$0x1], $0x80, s17, s15, $0xb8;
	[tilespmem:$0x1C400] =	vst v63  }
0x75: {  	_ =	swait.ge [sflag:s13], $0x4000  }
0x76: {  	[sflag:s13] =	ssyncset.done $0x0  }
0x77: {  	[sflag:s13] =	ssyncadd.s32 $0xFFFFC000  }
0x78: {  	[spmem:s2] =	stream.indirect.scatter.add.f32 [tilespmem:s16], [sflag:$0x1], $0x80, s18, s15, $0xb8;
	[tilespmem:$0x1C400] =	vst v63  }
0x79: {  	_ =	swait.ge [sflag:s13], $0x4000  }
0x7a: {  	[sflag:s13] =	ssyncset.done $0x0  }
0x7b: {  	[sflag:s13] =	ssyncadd.s32 $0xFFFFC000  }
0x7c: {  	[spmem:s2] =	stream.indirect.scatter.add.f32 [tilespmem:s16], [sflag:$0x1], $0x80, s19, s15, $0xb8;
	[tilespmem:$0x1C400] =	vst v63  }
0x7d: {  	_ =	swait.ge [sflag:s13], $0x4000  }
0x7e: {  	[sflag:s13] =	ssyncset.done $0x0  }
0x7f: {  	[sflag:s13] =	ssyncadd.s32 $0xFFFFC000  }
0x80: {  	[spmem:s2] =	stream.indirect.scatter.add.f32 [tilespmem:s16], [sflag:$0x1], $0x80, s20, s15, $0xb8;
	[tilespmem:$0x1C400] =	vst v63  }
0x81: {  	_ =	swait.ge [sflag:s13], $0x4000  }
0x82: {  	[sflag:s13] =	ssyncset.done $0x0  }
0x83: {  	[sflag:s13] =	ssyncadd.s32 $0xFFFFC000  }
0x84: {  	[spmem:s2] =	stream.indirect.scatter.add.f32 [tilespmem:s16], [sflag:$0x1], $0x80, s21, s15, $0xb8;
	[tilespmem:$0x1C400] =	vst v63  }
0x85: {  	_ =	swait.ge [sflag:s13], $0x4000  }
0x86: {  	[sflag:s13] =	ssyncset.done $0x0  }
0x87: {  	[sflag:s13] =	ssyncadd.s32 $0xFFFFC000  }
0x88: {  	[spmem:s2] =	stream.indirect.scatter.add.f32 [tilespmem:s16], [sflag:$0x1], $0x80, s22, s15, $0xb8;
	[tilespmem:$0x1C400] =	vst v63  }
0x89: {  	_ =	swait.ge [sflag:s13], $0x4000  }
.Ltmp2:
0x8a: {  	[sflag:s13] =	ssyncset.done $0x0;
	(pc) =	sbr.rel @p0 .LBB2_6-.Ltmp2, $4  }
0x8b: {  	[sflag:s13] =	ssyncadd.s32 $0xFFFFC000  }
0x8c: {  	[spmem:s2] =	stream.indirect.scatter.add.f32 [tilespmem:s16], [sflag:$0x1], $0x80, s23, s15, $0xb8;
	[tilespmem:$0x1C400] =	vst v63  }
0x8d: {  	_ =	swait.ge [sflag:s13], $0x4000  }
0x8e: {  	s28 =	smov.u32 s26;
	[sflag:s13] =	ssyncset.done $0x0  }
0x8f: {  	s25 =	sadd.s32 s25, s11;
	[sflag:s13] =	ssyncadd.s32 $0xFFFFC000  }
0x90: {  	[tilespmem:s14], [sflag:$0x1] =	stream.linear.gather [hbm4b:s25+s3], $0x400, $0x38;
	[tilespmem:$0x1C400] =	vst v63  }
0x91: {  	_ =	swait.ge [sflag:s13], $0x400  }
0x92: {  	[sflag:s13] =	ssyncset.done $0x0  }
0x93: {  	[sflag:s13] =	ssyncadd.s32 $0xFFFFFC00  }
0x94: {  	[spmem:s2] =	stream.indirect.scatter.add.f32 [tilespmem:s16], [sflag:$0x1], $0x80, s14, s15, $0xb8;
	[tilespmem:$0x1C400] =	vst v63  }
0x95: {  	_ =	swait.ge [sflag:s13], $0x4000  }
0x96: {  	[sflag:s13] =	ssyncset.done $0x0  }
0x97: {  	[sflag:s13] =	ssyncadd.s32 $0xFFFFC000  }
0x98: {  	[spmem:s2] =	stream.indirect.scatter.add.f32 [tilespmem:s16], [sflag:$0x1], $0x80, s17, s15, $0xb8;
	[tilespmem:$0x1C400] =	vst v63  }
0x99: {  	_ =	swait.ge [sflag:s13], $0x4000  }
0x9a: {  	[sflag:s13] =	ssyncset.done $0x0  }
0x9b: {  	[sflag:s13] =	ssyncadd.s32 $0xFFFFC000  }
0x9c: {  	[spmem:s2] =	stream.indirect.scatter.add.f32 [tilespmem:s16], [sflag:$0x1], $0x80, s18, s15, $0xb8;
	[tilespmem:$0x1C400] =	vst v63  }
0x9d: {  	_ =	swait.ge [sflag:s13], $0x4000  }
0x9e: {  	[sflag:s13] =	ssyncset.done $0x0  }
0x9f: {  	[sflag:s13] =	ssyncadd.s32 $0xFFFFC000  }
0xa0: {  	[spmem:s2] =	stream.indirect.scatter.add.f32 [tilespmem:s16], [sflag:$0x1], $0x80, s19, s15, $0xb8;
	[tilespmem:$0x1C400] =	vst v63  }
0xa1: {  	_ =	swait.ge [sflag:s13], $0x4000  }
0xa2: {  	[sflag:s13] =	ssyncset.done $0x0  }
0xa3: {  	[sflag:s13] =	ssyncadd.s32 $0xFFFFC000  }
0xa4: {  	[spmem:s2] =	stream.indirect.scatter.add.f32 [tilespmem:s16], [sflag:$0x1], $0x80, s20, s15, $0xb8;
	[tilespmem:$0x1C400] =	vst v63  }
0xa5: {  	_ =	swait.ge [sflag:s13], $0x4000  }
0xa6: {  	[sflag:s13] =	ssyncset.done $0x0  }
0xa7: {  	[sflag:s13] =	ssyncadd.s32 $0xFFFFC000  }
0xa8: {  	[spmem:s2] =	stream.indirect.scatter.add.f32 [tilespmem:s16], [sflag:$0x1], $0x80, s21, s15, $0xb8;
	[tilespmem:$0x1C400] =	vst v63  }
0xa9: {  	_ =	swait.ge [sflag:s13], $0x4000  }
0xaa: {  	[sflag:s13] =	ssyncset.done $0x0  }
0xab: {  	[sflag:s13] =	ssyncadd.s32 $0xFFFFC000  }
0xac: {  	[spmem:s2] =	stream.indirect.scatter.add.f32 [tilespmem:s16], [sflag:$0x1], $0x80, s22, s15, $0xb8;
	[tilespmem:$0x1C400] =	vst v63  }
0xad: {  	_ =	swait.ge [sflag:s13], $0x4000  }
0xae: {  	[sflag:s13] =	ssyncset.done $0x0  }
0xaf: {  	[sflag:s13] =	ssyncadd.s32 $0xFFFFC000  }
0xb0: {  	[spmem:s2] =	stream.indirect.scatter.add.f32 [tilespmem:s16], [sflag:$0x1], $0x80, s23, s15, $0xb8;
	[tilespmem:$0x1C400] =	vst v63  }
0xb1: {  	_ =	swait.ge [sflag:s13], $0x4000  }
0xb2: {  	s31 =	sshll.u32 s0, $0x6;
	s24 =	sadd.s32 $0x1, s24;
	[sflag:s13] =	ssyncset.done $0x0  }
0xb3: {  	s26 =	sshrl.u32 s4, $0x3;
	p0 =	sne.s32 s24, s6;
	[sflag:s13] =	ssyncadd.s32 $0xFFFFC000  }
.Ltmp3:
0xb4: {  	s25 =	sor.u32 $0x1C01, s31;
	[bflag:$0x0] =	sbarrier.arrive $0xFFFF;
	(pc) =	sbr.rel @p0 .LBB2_1-.Ltmp3, $4  }
0xb5: {  	[hbm:s5], [sflag:s25] =	dma.local [spmem:s26], $0x2800  }
0xb6: {  	_ =	swait.ge [sflag:s13], $0x2800  }
0xb7: {  	[sflag:s13] =	ssyncset.done $0x0  }
0xb8: {  	[sflag:s13] =	ssyncadd.s32 $0xFFFFD800  }
0xb9: {  	_ =	sfence.sel $0x180000  }
0xba: {  	[bflag:$0x0] =	sbarrier.arrive $0xFFFF  }
0xbb: {  	p0 =	sne.s32 s0, $0x0;
	_ =	strace $0x90000047  }
0xbc: {  	s0 =	sadd.s32 @!p0 $0x100000, s1;
	[bflag:$0x2] =	sbarrier.arrive $0xFFFF  }
0xbd: {  	[sflag:s0] =	ssyncadd.tile.s32 @!p0 $0x1;
	_ =	shalt  }
.Lfunc_end2:
_tile_overlayer_lowered:
.L_overlay_start_2:
0xbe: {  	(tag) =	ssettag $0x2  }
0xbf: {  	s0 =	rddreg [dreg:$0x0];
	s2 =	stileid.u32  }
0xc0: {  	s1 =	rddreg [dreg:$0x1];
	p0 =	sne.s32 s2, $0x0  }
0xc1: {  	s3 =	rddreg [dreg:$0x2];
	[bflag:$0x3] =	sbarrier.arrive $0xFFFF;
	s2 =	simm.s32 @!p0 $0x1C01  }
0xc2: {  	[timem:s3], [sflag:s2] =	dma.local @!p0 [hbm:s0], s1  }
0xc3: {  	s0 =	simm.s32 @!p0 $0x1  }
0xc4: {  	_ =	swait.ge @!p0 [sflag:s0], s1  }
0xc5: {  	s1 =	ssub.s32 @!p0 $0x0, s1;
	[sflag:s0] =	ssyncset.done @!p0 $0x0  }
0xc6: {  	[sflag:s0] =	ssyncadd.s32 @!p0 s1  }
0xc7: {  	[bflag:$0x3] =	sbarrier.arrive $0xFFFF  }
0xc8: {  	_ =	shalt  }

</sc_bundles>
